<compile_context>
chip_gen: v7x
topology: tpu7x:2x2x1
jax: 0.10.2.dev20260603
libtpu: 0.0.44.dev20260713+nightly
codegen_flags: <defaults>
</compile_context>

<pallas_src>
import functools

import jax
import jax.numpy as jnp
from jax import lax
from jax.experimental import pallas as pl
from jax.experimental.pallas import tpu as pltpu
from jax.experimental.pallas import tpu_sc as plsc

_N = 10000
_E = 320000
_D = 128
_DH = _D // 2

_NC = 2
_NS = 16
_B = 125
_CH = 160
_EPT = _B * _CH
_NB = 4
_LA = 2
_NA = _N + 8
_RPT = 624
_RLAST = _N - (_NS - 1) * _RPT


def _make_segsum():
    mesh = plsc.VectorSubcoreMesh(core_axis_name="c", subcore_axis_name="s")

    @functools.partial(
        pl.kernel,
        out_type=jax.ShapeDtypeStruct((_N, _D), jnp.float32),
        mesh=mesh,
        scratch_types=[
            pltpu.VMEM((_CH, _B), jnp.int32),
            pltpu.VMEM((_CH, _B), jnp.int32),
            [pltpu.VMEM((_B, _DH), jnp.float32) for _ in range(_NB)],
            pltpu.VMEM_SHARED((_NA, _DH), jnp.float32),
            [pltpu.SemaphoreType.DMA for _ in range(_NB)],
            [pltpu.SemaphoreType.DMA for _ in range(_NB)],
            pltpu.SemaphoreType.DMA,
        ],
        compiler_params=pltpu.CompilerParams(use_tc_tiling_on_sc=False),
    )
    def segsum(feat_hbm, edges_hbm, zeros_hbm, out_hbm, sidx_v, didx_v,
               rows, acc_sh, gsem, ssem, psem):
        c = lax.axis_index("c")
        s = lax.axis_index("s")
        tab = feat_hbm.at[c]
        icp0 = pltpu.async_copy(edges_hbm.at[0, s], sidx_v, psem)
        icp1 = pltpu.async_copy(edges_hbm.at[1, s], didx_v, psem)

        @pl.when(s < _NS - 1)
        def _():
            pltpu.sync_copy(zeros_hbm.at[pl.ds(0, _RPT)],
                            acc_sh.at[pl.ds(s * _RPT, _RPT)])

        @pl.when(s == _NS - 1)
        def _():
            pltpu.sync_copy(zeros_hbm, acc_sh.at[pl.ds(s * _RPT, _RLAST)])

        icp0.wait()
        icp1.wait()
        plsc.subcore_barrier()

        def start_gather(i, b):
            return pltpu.async_copy(tab.at[sidx_v.at[i]], rows[b], gsem[b])

        def wait_gather(i, b):
            pltpu.make_async_copy(tab.at[sidx_v.at[i]], rows[b],
                                  gsem[b]).wait()

        def start_scatter(i, b):
            return pltpu.async_copy(rows[b], acc_sh.at[didx_v.at[i]], ssem[b],
                                    add=True)

        def wait_scatter(i, b):
            pltpu.make_async_copy(rows[b], acc_sh.at[didx_v.at[i]],
                                  ssem[b]).wait()

        for k in range(_LA):
            start_gather(k, k)

        def body(j, carry):
            for b in range(_NB):
                i = _NB * j + b
                wait_gather(i, b)
                start_scatter(i, b)
                nxt = (b + _LA) % _NB

                @pl.when(i + _LA < _CH)
                def _():
                    @pl.when(i >= _LA)
                    def _():
                        wait_scatter(i - _LA, nxt)
                    start_gather(i + _LA, nxt)
            return carry

        lax.fori_loop(0, _CH // _NB, body, 0)
        for k in range(2 * _LA):
            i = _CH - 2 * _LA + k
            wait_scatter(i, i % _NB)
        plsc.subcore_barrier()

        @pl.when(s < _NS - 1)
        def _():
            pltpu.sync_copy(acc_sh.at[pl.ds(s * _RPT, _RPT)],
                            out_hbm.at[pl.ds(s * _RPT, _RPT),
                                       pl.ds(c * _DH, _DH)])

        @pl.when(s == _NS - 1)
        def _():
            pltpu.sync_copy(acc_sh.at[pl.ds(s * _RPT, _RLAST)],
                            out_hbm.at[pl.ds(s * _RPT, _RLAST),
                                       pl.ds(c * _DH, _DH)])

    return segsum


_segsum = _make_segsum()

_BN = 2000
_GRID = _N // _BN


def _mlp1_body(f_ref, a_ref, w_ref, b_ref, o_ref):
    x = f_ref[...] + a_ref[...]
    y = lax.dot_general(x, w_ref[...], (((1,), (1,)), ((), ())),
                        preferred_element_type=jnp.float32,
                        precision=lax.Precision.HIGHEST)
    y = jnp.maximum(y + b_ref[...], 0.0)
    o_ref[0] = y[:, :_DH]
    o_ref[1] = y[:, _DH:]


def _mlp2_body(h_ref, a_ref, w_ref, b_ref, o_ref):
    x = jnp.concatenate([h_ref[0], h_ref[1]], axis=1) + a_ref[...]
    y = lax.dot_general(x, w_ref[...], (((1,), (1,)), ((), ())),
                        preferred_element_type=jnp.float32,
                        precision=lax.Precision.HIGHEST)
    y = y + b_ref[...]
    m = jnp.max(y, axis=1, keepdims=True)
    lse = m + jnp.log(jnp.sum(jnp.exp(y - m), axis=1, keepdims=True))
    o_ref[...] = y - lse


_SPLIT_SPEC = pl.BlockSpec((_NC, _BN, _DH), lambda i: (0, i, 0))
_FULL_SPEC = pl.BlockSpec((_BN, _D), lambda i: (i, 0))
_W_SPEC = pl.BlockSpec((_D, _D), lambda i: (0, 0))
_B_SPEC = pl.BlockSpec((1, _D), lambda i: (0, 0))


def _mlp1(feature, aggs, W, b):
    return pl.pallas_call(
        _mlp1_body,
        grid=(_GRID,),
        in_specs=[_FULL_SPEC, _FULL_SPEC, _W_SPEC, _B_SPEC],
        out_specs=_SPLIT_SPEC,
        out_shape=jax.ShapeDtypeStruct((_NC, _N, _DH), jnp.float32),
    )(feature, aggs, W, b.reshape(1, _D))


def _mlp2(h, aggs, W, b):
    return pl.pallas_call(
        _mlp2_body,
        grid=(_GRID,),
        in_specs=[_SPLIT_SPEC, _FULL_SPEC, _W_SPEC, _B_SPEC],
        out_specs=_FULL_SPEC,
        out_shape=jax.ShapeDtypeStruct((_N, _D), jnp.float32),
    )(h, aggs, W, b.reshape(1, _D))


def kernel(feature, edge_index, W1, b1, W2, b2):
    edges = edge_index.reshape(2, _NS, _CH, _B)
    zeros = jnp.zeros((_RLAST, _DH), jnp.float32)
    feat2 = jnp.stack([feature[:, :_DH], feature[:, _DH:]])

    agg1 = _segsum(feat2, edges, zeros)
    h2 = _mlp1(feature, agg1, W1, b1)
    agg2 = _segsum(h2, edges, zeros)
    return _mlp2(h2, agg2, W2, b2)

# --- scband reference (transcript-rebuilt; emitter-appended) ---
"""Pipeline reference for scband-gin-53919019434437 (READ-ONLY COPY).

The authoritative reference and input builder live on the scoring server;
editing this copy changes nothing except your own understanding.
"""

import jax, jax.numpy as jnp
import numpy as np

N = 10000
E = 320000
D = 128

def setup_inputs(seed: int = 0) -> dict:
    key = jax.random.key(seed)
    k1, k2, k3, k4, k5, k6 = jax.random.split(key, 6)
    feature = jax.random.normal(k1, (N, D), dtype=jnp.float32)
    edge_index = jax.random.randint(k2, (2, E), 0, N, dtype=jnp.int32)
    # Linear layer params (PyTorch nn.Linear convention: y = x @ W.T + b)
    lim1 = 1.0 / np.sqrt(D)
    W1 = jax.random.uniform(k3, (D, D), minval=-lim1, maxval=lim1, dtype=jnp.float32)
    b1 = jax.random.uniform(k4, (D,), minval=-lim1, maxval=lim1, dtype=jnp.float32)
    W2 = jax.random.uniform(k5, (D, D), minval=-lim1, maxval=lim1, dtype=jnp.float32)
    b2 = jax.random.uniform(k6, (D,), minval=-lim1, maxval=lim1, dtype=jnp.float32)
    return {"feature": feature, "edge_index": edge_index, "W1": W1, "b1": b1, "W2": W2, "b2": b2}

def reference(feature, edge_index, W1, b1, W2, b2):
    # GIN with layer_num=2: conv_first (GINConv + Linear) -> relu -> conv_out (GINConv + Linear) -> log_softmax
    # GINConv (eps=0): h_i = nn((1+eps)*x_i + sum_{j in N(i)} x_j)
    src = edge_index[0]
    dst = edge_index[1]
    # conv_first
    agg1 = jax.ops.segment_sum(feature[src], dst, num_segments=N)
    h = feature + agg1
    h = h @ W1.T + b1
    h = jax.nn.relu(h)
    # dropout disabled (dropout=False)
    # conv_out
    agg2 = jax.ops.segment_sum(h[src], dst, num_segments=N)
    h = h + agg2
    h = h @ W2.T + b2
    # log_softmax over dim=1
    return h - jax.scipy.special.logsumexp(h, axis=1, keepdims=True)

if __name__ == "__main__":
    import jax
    _d = setup_inputs()
    print(jax.jit(kernel)(*tuple(_d.values())))

</pallas_src>

<mosaic_0001>
#map = affine_map<(d0, d1) -> (0, 0, 0)>
#map1 = affine_map<(d0, d1) -> (0, 0, 0, 0)>
#map2 = affine_map<(d0, d1) -> (0, 0)>
module attributes {stable_mosaic.version = 14 : i64} {
  func.func @segsum(%arg0: i32, %arg1: i32, %arg2: memref<2x10000x64xf32, #tpu.memory_space<hbm>>, %arg3: memref<2x16x160x125xi32, #tpu.memory_space<hbm>>, %arg4: memref<640x64xf32, #tpu.memory_space<hbm>>, %arg5: memref<10000x128xf32, #tpu.memory_space<hbm>>, %arg6: memref<160x125xi32, #tpu.memory_space<vmem>>, %arg7: memref<160x125xi32, #tpu.memory_space<vmem>>, %arg8: memref<125x64xf32, #tpu.memory_space<vmem>>, %arg9: memref<125x64xf32, #tpu.memory_space<vmem>>, %arg10: memref<125x64xf32, #tpu.memory_space<vmem>>, %arg11: memref<125x64xf32, #tpu.memory_space<vmem>>, %arg12: memref<10008x64xf32, #tpu.memory_space<vmem_shared>>, %arg13: memref<!tpu.dma_semaphore, #tpu.memory_space<semaphore_mem>>, %arg14: memref<!tpu.dma_semaphore, #tpu.memory_space<semaphore_mem>>, %arg15: memref<!tpu.dma_semaphore, #tpu.memory_space<semaphore_mem>>, %arg16: memref<!tpu.dma_semaphore, #tpu.memory_space<semaphore_mem>>, %arg17: memref<!tpu.dma_semaphore, #tpu.memory_space<semaphore_mem>>, %arg18: memref<!tpu.dma_semaphore, #tpu.memory_space<semaphore_mem>>, %arg19: memref<!tpu.dma_semaphore, #tpu.memory_space<semaphore_mem>>, %arg20: memref<!tpu.dma_semaphore, #tpu.memory_space<semaphore_mem>>, %arg21: memref<!tpu.dma_semaphore, #tpu.memory_space<semaphore_mem>>) attributes {dimension_semantics = [#tpu.dimension_semantics<core_parallel>, #tpu.dimension_semantics<subcore_parallel>], iteration_bounds = array<i64: 2, 16>, scalar_prefetch = 0 : i64, scratch_operands = 16 : i64, tpu.core_type = #tpu.core_type<sc_vector_subcore>, window_params = [{transform_indices = #map}, {transform_indices = #map1}, {transform_indices = #map2}, {transform_indices = #map2}]} {
    %dma_start3A = arith.constant 0 : i32
    %dma_start3A_0 = arith.constant 0 : i32
    %dma_start3A_1 = arith.constant 0 : i32
    %dma_start3A_2 = tpu.memref_slice %arg3[%dma_start3A, %arg1, %dma_start3A_0, %dma_start3A_1] : memref<2x16x160x125xi32, #tpu.memory_space<hbm>> -> memref<1x1x160x125xi32, #tpu.memory_space<hbm>>
    %dma_start3A_3 = tpu.memref_squeeze %dma_start3A_2 : memref<1x1x160x125xi32, #tpu.memory_space<hbm>> -> memref<160x125xi32, #tpu.memory_space<hbm>>
    %dma_start3A_4 = arith.constant 0 : i32
    %dma_start3A_5 = arith.constant 0 : i32
    %dma_start3A_6 = tpu.memref_slice %arg3[%dma_start3A, %arg1, %dma_start3A_4, %dma_start3A_5] : memref<2x16x160x125xi32, #tpu.memory_space<hbm>> -> memref<1x1x160x125xi32, #tpu.memory_space<hbm>>
    %dma_start3A_7 = tpu.memref_squeeze %dma_start3A_6 : memref<1x1x160x125xi32, #tpu.memory_space<hbm>> -> memref<160x125xi32, #tpu.memory_space<hbm>>
    tpu.enqueue_dma source(%dma_start3A_7 : memref<160x125xi32, #tpu.memory_space<hbm>>) target(%arg6 : memref<160x125xi32, #tpu.memory_space<vmem>>) target_semaphore(%arg21 : memref<!tpu.dma_semaphore, #tpu.memory_space<semaphore_mem>>)
    %dma_start3A_8 = arith.constant 1 : i32
    %dma_start3A_9 = arith.constant 0 : i32
    %dma_start3A_10 = arith.constant 0 : i32
    %dma_start3A_11 = tpu.memref_slice %arg3[%dma_start3A_8, %arg1, %dma_start3A_9, %dma_start3A_10] : memref<2x16x160x125xi32, #tpu.memory_space<hbm>> -> memref<1x1x160x125xi32, #tpu.memory_space<hbm>>
    %dma_start3A_12 = tpu.memref_squeeze %dma_start3A_11 : memref<1x1x160x125xi32, #tpu.memory_space<hbm>> -> memref<160x125xi32, #tpu.memory_space<hbm>>
    %dma_start3A_13 = arith.constant 0 : i32
    %dma_start3A_14 = arith.constant 0 : i32
    %dma_start3A_15 = tpu.memref_slice %arg3[%dma_start3A_8, %arg1, %dma_start3A_13, %dma_start3A_14] : memref<2x16x160x125xi32, #tpu.memory_space<hbm>> -> memref<1x1x160x125xi32, #tpu.memory_space<hbm>>
    %dma_start3A_16 = tpu.memref_squeeze %dma_start3A_15 : memref<1x1x160x125xi32, #tpu.memory_space<hbm>> -> memref<160x125xi32, #tpu.memory_space<hbm>>
    tpu.enqueue_dma source(%dma_start3A_16 : memref<160x125xi32, #tpu.memory_space<hbm>>) target(%arg7 : memref<160x125xi32, #tpu.memory_space<vmem>>) target_semaphore(%arg21 : memref<!tpu.dma_semaphore, #tpu.memory_space<semaphore_mem>>)
    %lt3A = arith.constant 15 : i32
    %lt3A_17 = arith.cmpi slt, %arg1, %lt3A : i32
    %convert_element_type3A = arith.extui %lt3A_17 : i1 to i32
    %cond3A = arith.constant 0 : i32
    %cond3A_18 = arith.cmpi ne, %convert_element_type3A, %cond3A : i32
    scf.if %cond3A_18 {
      %mul3A = arith.constant 624 : i32
      %mul3A_106 = arith.muli %arg1, %mul3A : i32
      "tpu.region"() ({
        %run_scoped3A = tpu.sem_alloc : memref<!tpu.dma_semaphore, #tpu.memory_space<semaphore_mem>>
        %dma_start3A_107 = arith.constant 0 : i32
        %dma_start3A_108 = tpu.memref_slice %arg12[%mul3A_106, %dma_start3A_107] : memref<10008x64xf32, #tpu.memory_space<vmem_shared>> -> memref<624x64xf32, #tpu.memory_space<vmem_shared>>
        %dma_start3A_109 = arith.constant 0 : i32
        %dma_start3A_110 = arith.constant 0 : i32
        %dma_start3A_111 = tpu.memref_slice %arg4[%dma_start3A_109, %dma_start3A_110] : memref<640x64xf32, #tpu.memory_space<hbm>> -> memref<624x64xf32, #tpu.memory_space<hbm>>
        tpu.enqueue_dma source(%dma_start3A_111 : memref<624x64xf32, #tpu.memory_space<hbm>>) target(%dma_start3A_108 : memref<624x64xf32, #tpu.memory_space<vmem_shared>>) target_semaphore(%run_scoped3A : memref<!tpu.dma_semaphore, #tpu.memory_space<semaphore_mem>>)
        %dma_wait3A_112 = arith.constant 0 : i32
        %dma_wait3A_113 = tpu.memref_slice %arg12[%mul3A_106, %dma_wait3A_112] : memref<10008x64xf32, #tpu.memory_space<vmem_shared>> -> memref<624x64xf32, #tpu.memory_space<vmem_shared>>
        %dma_wait3A_114 = arith.constant 0 : i32
        %dma_wait3A_115 = arith.constant 0 : i32
        %dma_wait3A_116 = tpu.memref_slice %arg4[%dma_wait3A_114, %dma_wait3A_115] : memref<640x64xf32, #tpu.memory_space<hbm>> -> memref<624x64xf32, #tpu.memory_space<hbm>>
        tpu.wait_dma2 semaphore(%run_scoped3A : memref<!tpu.dma_semaphore, #tpu.memory_space<semaphore_mem>>) src(%dma_wait3A_116 : memref<624x64xf32, #tpu.memory_space<hbm>>) dst(%dma_wait3A_113 : memref<624x64xf32, #tpu.memory_space<vmem_shared>>)
        tpu.yield
      }) : () -> ()
    } else {
    }
    %eq3A = arith.constant 15 : i32
    %eq3A_19 = arith.cmpi eq, %arg1, %eq3A : i32
    %convert_element_type3A_20 = arith.extui %eq3A_19 : i1 to i32
    %cond3A_21 = arith.constant 0 : i32
    %cond3A_22 = arith.cmpi ne, %convert_element_type3A_20, %cond3A_21 : i32
    scf.if %cond3A_22 {
      %mul3A = arith.constant 624 : i32
      %mul3A_106 = arith.muli %arg1, %mul3A : i32
      "tpu.region"() ({
        %run_scoped3A = tpu.sem_alloc : memref<!tpu.dma_semaphore, #tpu.memory_space<semaphore_mem>>
        %dma_start3A_107 = arith.constant 0 : i32
        %dma_start3A_108 = tpu.memref_slice %arg12[%mul3A_106, %dma_start3A_107] : memref<10008x64xf32, #tpu.memory_space<vmem_shared>> -> memref<640x64xf32, #tpu.memory_space<vmem_shared>>
        tpu.enqueue_dma source(%arg4 : memref<640x64xf32, #tpu.memory_space<hbm>>) target(%dma_start3A_108 : memref<640x64xf32, #tpu.memory_space<vmem_shared>>) target_semaphore(%run_scoped3A : memref<!tpu.dma_semaphore, #tpu.memory_space<semaphore_mem>>)
        %dma_wait3A_109 = arith.constant 0 : i32
        %dma_wait3A_110 = tpu.memref_slice %arg12[%mul3A_106, %dma_wait3A_109] : memref<10008x64xf32, #tpu.memory_space<vmem_shared>> -> memref<640x64xf32, #tpu.memory_space<vmem_shared>>
        tpu.wait_dma2 semaphore(%run_scoped3A : memref<!tpu.dma_semaphore, #tpu.memory_space<semaphore_mem>>) src(%arg4 : memref<640x64xf32, #tpu.memory_space<hbm>>) dst(%dma_wait3A_110 : memref<640x64xf32, #tpu.memory_space<vmem_shared>>)
        tpu.yield
      }) : () -> ()
    } else {
    }
    %dma_wait3A = arith.constant 0 : i32
    %dma_wait3A_23 = arith.constant 0 : i32
    %dma_wait3A_24 = arith.constant 0 : i32
    %dma_wait3A_25 = tpu.memref_slice %arg3[%dma_wait3A, %arg1, %dma_wait3A_23, %dma_wait3A_24] : memref<2x16x160x125xi32, #tpu.memory_space<hbm>> -> memref<1x1x160x125xi32, #tpu.memory_space<hbm>>
    %dma_wait3A_26 = tpu.memref_squeeze %dma_wait3A_25 : memref<1x1x160x125xi32, #tpu.memory_space<hbm>> -> memref<160x125xi32, #tpu.memory_space<hbm>>
    %dma_wait3A_27 = arith.constant 0 : i32
    %dma_wait3A_28 = arith.constant 0 : i32
    %dma_wait3A_29 = tpu.memref_slice %arg3[%dma_wait3A, %arg1, %dma_wait3A_27, %dma_wait3A_28] : memref<2x16x160x125xi32, #tpu.memory_space<hbm>> -> memref<1x1x160x125xi32, #tpu.memory_space<hbm>>
    %dma_wait3A_30 = tpu.memref_squeeze %dma_wait3A_29 : memref<1x1x160x125xi32, #tpu.memory_space<hbm>> -> memref<160x125xi32, #tpu.memory_space<hbm>>
    tpu.wait_dma2 semaphore(%arg21 : memref<!tpu.dma_semaphore, #tpu.memory_space<semaphore_mem>>) src(%dma_wait3A_30 : memref<160x125xi32, #tpu.memory_space<hbm>>) dst(%arg6 : memref<160x125xi32, #tpu.memory_space<vmem>>)
    %dma_wait3A_31 = arith.constant 1 : i32
    %dma_wait3A_32 = arith.constant 0 : i32
    %dma_wait3A_33 = arith.constant 0 : i32
    %dma_wait3A_34 = tpu.memref_slice %arg3[%dma_wait3A_31, %arg1, %dma_wait3A_32, %dma_wait3A_33] : memref<2x16x160x125xi32, #tpu.memory_space<hbm>> -> memref<1x1x160x125xi32, #tpu.memory_space<hbm>>
    %dma_wait3A_35 = tpu.memref_squeeze %dma_wait3A_34 : memref<1x1x160x125xi32, #tpu.memory_space<hbm>> -> memref<160x125xi32, #tpu.memory_space<hbm>>
    %dma_wait3A_36 = arith.constant 0 : i32
    %dma_wait3A_37 = arith.constant 0 : i32
    %dma_wait3A_38 = tpu.memref_slice %arg3[%dma_wait3A_31, %arg1, %dma_wait3A_36, %dma_wait3A_37] : memref<2x16x160x125xi32, #tpu.memory_space<hbm>> -> memref<1x1x160x125xi32, #tpu.memory_space<hbm>>
    %dma_wait3A_39 = tpu.memref_squeeze %dma_wait3A_38 : memref<1x1x160x125xi32, #tpu.memory_space<hbm>> -> memref<160x125xi32, #tpu.memory_space<hbm>>
    tpu.wait_dma2 semaphore(%arg21 : memref<!tpu.dma_semaphore, #tpu.memory_space<semaphore_mem>>) src(%dma_wait3A_39 : memref<160x125xi32, #tpu.memory_space<hbm>>) dst(%arg7 : memref<160x125xi32, #tpu.memory_space<vmem>>)
    %barrier3A = arith.constant 0 : index
    tpu.barrier barrier_id(%barrier3A)
    %dma_start3A_40 = arith.constant 0 : i32
    %dma_start3A_41 = arith.constant 0 : i32
    %dma_start3A_42 = tpu.memref_slice %arg6[%dma_start3A_40, %dma_start3A_41] : memref<160x125xi32, #tpu.memory_space<vmem>> -> memref<1x125xi32, #tpu.memory_space<vmem>>
    %dma_start3A_43 = tpu.memref_squeeze %dma_start3A_42 : memref<1x125xi32, #tpu.memory_space<vmem>> -> memref<125xi32, #tpu.memory_space<vmem>>
    %dma_start3A_44 = arith.constant 0 : i32
    %dma_start3A_45 = arith.constant 0 : i32
    %dma_start3A_46 = tpu.memref_slice %arg2[%arg0, %dma_start3A_44, %dma_start3A_45] : memref<2x10000x64xf32, #tpu.memory_space<hbm>> -> memref<1x10000x64xf32, #tpu.memory_space<hbm>>
    %dma_start3A_47 = tpu.memref_squeeze %dma_start3A_46 : memref<1x10000x64xf32, #tpu.memory_space<hbm>> -> memref<10000x64xf32, #tpu.memory_space<hbm>>
    %dma_start3A_48 = arith.constant 0 : i32
    %dma_start3A_49 = arith.constant 0 : i32
    %dma_start3A_50 = tpu.memref_slice %dma_start3A_47[%dma_start3A_48, %dma_start3A_49] : memref<10000x64xf32, #tpu.memory_space<hbm>> -> memref<10000x64xf32, #tpu.memory_space<hbm>>
    tpu.enqueue_indirect_dma source(%dma_start3A_50 : memref<10000x64xf32, #tpu.memory_space<hbm>>) target(%arg8 : memref<125x64xf32, #tpu.memory_space<vmem>>) offsets(%dma_start3A_43 : memref<125xi32, #tpu.memory_space<vmem>>) semaphore(%arg13 : memref<!tpu.dma_semaphore, #tpu.memory_space<semaphore_mem>>)
    %dma_start3A_51 = arith.constant 1 : i32
    %dma_start3A_52 = arith.constant 0 : i32
    %dma_start3A_53 = tpu.memref_slice %arg6[%dma_start3A_51, %dma_start3A_52] : memref<160x125xi32, #tpu.memory_space<vmem>> -> memref<1x125xi32, #tpu.memory_space<vmem>>
    %dma_start3A_54 = tpu.memref_squeeze %dma_start3A_53 : memref<1x125xi32, #tpu.memory_space<vmem>> -> memref<125xi32, #tpu.memory_space<vmem>>
    %dma_start3A_55 = arith.constant 0 : i32
    %dma_start3A_56 = arith.constant 0 : i32
    %dma_start3A_57 = tpu.memref_slice %arg2[%arg0, %dma_start3A_55, %dma_start3A_56] : memref<2x10000x64xf32, #tpu.memory_space<hbm>> -> memref<1x10000x64xf32, #tpu.memory_space<hbm>>
    %dma_start3A_58 = tpu.memref_squeeze %dma_start3A_57 : memref<1x10000x64xf32, #tpu.memory_space<hbm>> -> memref<10000x64xf32, #tpu.memory_space<hbm>>
    %dma_start3A_59 = arith.constant 0 : i32
    %dma_start3A_60 = arith.constant 0 : i32
    %dma_start3A_61 = tpu.memref_slice %dma_start3A_58[%dma_start3A_59, %dma_start3A_60] : memref<10000x64xf32, #tpu.memory_space<hbm>> -> memref<10000x64xf32, #tpu.memory_space<hbm>>
    tpu.enqueue_indirect_dma source(%dma_start3A_61 : memref<10000x64xf32, #tpu.memory_space<hbm>>) target(%arg9 : memref<125x64xf32, #tpu.memory_space<vmem>>) offsets(%dma_start3A_54 : memref<125xi32, #tpu.memory_space<vmem>>) semaphore(%arg14 : memref<!tpu.dma_semaphore, #tpu.memory_space<semaphore_mem>>)
    %scan3A = arith.constant 0 : i32
    %scan3A_62 = arith.constant 0 : i32
    %scan3A_63 = arith.constant 40 : i32
    %scan3A_64 = arith.addi %scan3A_62, %scan3A_63 : i32
    %scan3A_65 = arith.constant 1 : i32
    scf.for %scan3A_106 = %scan3A_62 to %scan3A_64 step %scan3A_65  : i32 {
      %mul3A = arith.constant 4 : i32
      %mul3A_107 = arith.muli %mul3A, %scan3A_106 : i32
      %add3A = arith.constant 0 : i32
      %add3A_108 = arith.addi %mul3A_107, %add3A : i32
      %dma_wait3A_109 = arith.constant 0 : i32
      %dma_wait3A_110 = tpu.memref_slice %arg6[%add3A_108, %dma_wait3A_109] : memref<160x125xi32, #tpu.memory_space<vmem>> -> memref<1x125xi32, #tpu.memory_space<vmem>>
      %dma_wait3A_111 = tpu.memref_squeeze %dma_wait3A_110 : memref<1x125xi32, #tpu.memory_space<vmem>> -> memref<125xi32, #tpu.memory_space<vmem>>
      %dma_wait3A_112 = arith.constant 0 : i32
      %dma_wait3A_113 = arith.constant 0 : i32
      %dma_wait3A_114 = tpu.memref_slice %arg2[%arg0, %dma_wait3A_112, %dma_wait3A_113] : memref<2x10000x64xf32, #tpu.memory_space<hbm>> -> memref<1x10000x64xf32, #tpu.memory_space<hbm>>
      %dma_wait3A_115 = tpu.memref_squeeze %dma_wait3A_114 : memref<1x10000x64xf32, #tpu.memory_space<hbm>> -> memref<10000x64xf32, #tpu.memory_space<hbm>>
      %dma_wait3A_116 = arith.constant 0 : i32
      %dma_wait3A_117 = arith.constant 0 : i32
      %dma_wait3A_118 = tpu.memref_slice %dma_wait3A_115[%dma_wait3A_116, %dma_wait3A_117] : memref<10000x64xf32, #tpu.memory_space<hbm>> -> memref<10000x64xf32, #tpu.memory_space<hbm>>
      tpu.wait_indirect_dma semaphore(%arg13 : memref<!tpu.dma_semaphore, #tpu.memory_space<semaphore_mem>>) src(%dma_wait3A_118 : memref<10000x64xf32, #tpu.memory_space<hbm>>) dst(%arg8 : memref<125x64xf32, #tpu.memory_space<vmem>>)
      %dma_start3A_119 = arith.constant 0 : i32
      %dma_start3A_120 = tpu.memref_slice %arg7[%add3A_108, %dma_start3A_119] : memref<160x125xi32, #tpu.memory_space<vmem>> -> memref<1x125xi32, #tpu.memory_space<vmem>>
      %dma_start3A_121 = tpu.memref_squeeze %dma_start3A_120 : memref<1x125xi32, #tpu.memory_space<vmem>> -> memref<125xi32, #tpu.memory_space<vmem>>
      %dma_start3A_122 = arith.constant 0 : i32
      %dma_start3A_123 = arith.constant 0 : i32
      %dma_start3A_124 = tpu.memref_slice %arg12[%dma_start3A_122, %dma_start3A_123] : memref<10008x64xf32, #tpu.memory_space<vmem_shared>> -> memref<10008x64xf32, #tpu.memory_space<vmem_shared>>
      tpu.enqueue_indirect_dma source(%arg8 : memref<125x64xf32, #tpu.memory_space<vmem>>) target(%dma_start3A_124 : memref<10008x64xf32, #tpu.memory_space<vmem_shared>>) offsets(%dma_start3A_121 : memref<125xi32, #tpu.memory_space<vmem>>) semaphore(%arg17 : memref<!tpu.dma_semaphore, #tpu.memory_space<semaphore_mem>>) {add = true}
      %add3A_125 = arith.constant 2 : i32
      %add3A_126 = arith.addi %add3A_108, %add3A_125 : i32
      %lt3A_127 = arith.constant 160 : i32
      %lt3A_128 = arith.cmpi slt, %add3A_126, %lt3A_127 : i32
      %convert_element_type3A_129 = arith.extui %lt3A_128 : i1 to i32
      %cond3A_130 = arith.constant 0 : i32
      %cond3A_131 = arith.cmpi ne, %convert_element_type3A_129, %cond3A_130 : i32
      scf.if %cond3A_131 {
        %ge3A = arith.constant 2 : i32
        %ge3A_213 = arith.cmpi sge, %add3A_108, %ge3A : i32
        %convert_element_type3A_214 = arith.extui %ge3A_213 : i1 to i32
        %cond3A_215 = arith.constant 0 : i32
        %cond3A_216 = arith.cmpi ne, %convert_element_type3A_214, %cond3A_215 : i32
        scf.if %cond3A_216 {
          %sub3A = arith.constant 2 : i32
          %sub3A_229 = arith.subi %add3A_108, %sub3A : i32
          %dma_wait3A_230 = arith.constant 0 : i32
          %dma_wait3A_231 = tpu.memref_slice %arg7[%sub3A_229, %dma_wait3A_230] : memref<160x125xi32, #tpu.memory_space<vmem>> -> memref<1x125xi32, #tpu.memory_space<vmem>>
          %dma_wait3A_232 = tpu.memref_squeeze %dma_wait3A_231 : memref<1x125xi32, #tpu.memory_space<vmem>> -> memref<125xi32, #tpu.memory_space<vmem>>
          %dma_wait3A_233 = arith.constant 0 : i32
          %dma_wait3A_234 = arith.constant 0 : i32
          %dma_wait3A_235 = tpu.memref_slice %arg12[%dma_wait3A_233, %dma_wait3A_234] : memref<10008x64xf32, #tpu.memory_space<vmem_shared>> -> memref<10008x64xf32, #tpu.memory_space<vmem_shared>>
          tpu.wait_indirect_dma semaphore(%arg19 : memref<!tpu.dma_semaphore, #tpu.memory_space<semaphore_mem>>) src(%arg10 : memref<125x64xf32, #tpu.memory_space<vmem>>) dst(%dma_wait3A_235 : memref<10008x64xf32, #tpu.memory_space<vmem_shared>>)
        } else {
        }
        %add3A_217 = arith.constant 2 : i32
        %add3A_218 = arith.addi %add3A_108, %add3A_217 : i32
        %dma_start3A_219 = arith.constant 0 : i32
        %dma_start3A_220 = tpu.memref_slice %arg6[%add3A_218, %dma_start3A_219] : memref<160x125xi32, #tpu.memory_space<vmem>> -> memref<1x125xi32, #tpu.memory_space<vmem>>
        %dma_start3A_221 = tpu.memref_squeeze %dma_start3A_220 : memref<1x125xi32, #tpu.memory_space<vmem>> -> memref<125xi32, #tpu.memory_space<vmem>>
        %dma_start3A_222 = arith.constant 0 : i32
        %dma_start3A_223 = arith.constant 0 : i32
        %dma_start3A_224 = tpu.memref_slice %arg2[%arg0, %dma_start3A_222, %dma_start3A_223] : memref<2x10000x64xf32, #tpu.memory_space<hbm>> -> memref<1x10000x64xf32, #tpu.memory_space<hbm>>
        %dma_start3A_225 = tpu.memref_squeeze %dma_start3A_224 : memref<1x10000x64xf32, #tpu.memory_space<hbm>> -> memref<10000x64xf32, #tpu.memory_space<hbm>>
        %dma_start3A_226 = arith.constant 0 : i32
        %dma_start3A_227 = arith.constant 0 : i32
        %dma_start3A_228 = tpu.memref_slice %dma_start3A_225[%dma_start3A_226, %dma_start3A_227] : memref<10000x64xf32, #tpu.memory_space<hbm>> -> memref<10000x64xf32, #tpu.memory_space<hbm>>
        tpu.enqueue_indirect_dma source(%dma_start3A_228 : memref<10000x64xf32, #tpu.memory_space<hbm>>) target(%arg10 : memref<125x64xf32, #tpu.memory_space<vmem>>) offsets(%dma_start3A_221 : memref<125xi32, #tpu.memory_space<vmem>>) semaphore(%arg15 : memref<!tpu.dma_semaphore, #tpu.memory_space<semaphore_mem>>)
      } else {
      }
      %mul3A_132 = arith.constant 4 : i32
      %mul3A_133 = arith.muli %mul3A_132, %scan3A_106 : i32
      %add3A_134 = arith.constant 1 : i32
      %add3A_135 = arith.addi %mul3A_133, %add3A_134 : i32
      %dma_wait3A_136 = arith.constant 0 : i32
      %dma_wait3A_137 = tpu.memref_slice %arg6[%add3A_135, %dma_wait3A_136] : memref<160x125xi32, #tpu.memory_space<vmem>> -> memref<1x125xi32, #tpu.memory_space<vmem>>
      %dma_wait3A_138 = tpu.memref_squeeze %dma_wait3A_137 : memref<1x125xi32, #tpu.memory_space<vmem>> -> memref<125xi32, #tpu.memory_space<vmem>>
      %dma_wait3A_139 = arith.constant 0 : i32
      %dma_wait3A_140 = arith.constant 0 : i32
      %dma_wait3A_141 = tpu.memref_slice %arg2[%arg0, %dma_wait3A_139, %dma_wait3A_140] : memref<2x10000x64xf32, #tpu.memory_space<hbm>> -> memref<1x10000x64xf32, #tpu.memory_space<hbm>>
      %dma_wait3A_142 = tpu.memref_squeeze %dma_wait3A_141 : memref<1x10000x64xf32, #tpu.memory_space<hbm>> -> memref<10000x64xf32, #tpu.memory_space<hbm>>
      %dma_wait3A_143 = arith.constant 0 : i32
      %dma_wait3A_144 = arith.constant 0 : i32
      %dma_wait3A_145 = tpu.memref_slice %dma_wait3A_142[%dma_wait3A_143, %dma_wait3A_144] : memref<10000x64xf32, #tpu.memory_space<hbm>> -> memref<10000x64xf32, #tpu.memory_space<hbm>>
      tpu.wait_indirect_dma semaphore(%arg14 : memref<!tpu.dma_semaphore, #tpu.memory_space<semaphore_mem>>) src(%dma_wait3A_145 : memref<10000x64xf32, #tpu.memory_space<hbm>>) dst(%arg9 : memref<125x64xf32, #tpu.memory_space<vmem>>)
      %dma_start3A_146 = arith.constant 0 : i32
      %dma_start3A_147 = tpu.memref_slice %arg7[%add3A_135, %dma_start3A_146] : memref<160x125xi32, #tpu.memory_space<vmem>> -> memref<1x125xi32, #tpu.memory_space<vmem>>
      %dma_start3A_148 = tpu.memref_squeeze %dma_start3A_147 : memref<1x125xi32, #tpu.memory_space<vmem>> -> memref<125xi32, #tpu.memory_space<vmem>>
      %dma_start3A_149 = arith.constant 0 : i32
      %dma_start3A_150 = arith.constant 0 : i32
      %dma_start3A_151 = tpu.memref_slice %arg12[%dma_start3A_149, %dma_start3A_150] : memref<10008x64xf32, #tpu.memory_space<vmem_shared>> -> memref<10008x64xf32, #tpu.memory_space<vmem_shared>>
      tpu.enqueue_indirect_dma source(%arg9 : memref<125x64xf32, #tpu.memory_space<vmem>>) target(%dma_start3A_151 : memref<10008x64xf32, #tpu.memory_space<vmem_shared>>) offsets(%dma_start3A_148 : memref<125xi32, #tpu.memory_space<vmem>>) semaphore(%arg18 : memref<!tpu.dma_semaphore, #tpu.memory_space<semaphore_mem>>) {add = true}
      %add3A_152 = arith.constant 2 : i32
      %add3A_153 = arith.addi %add3A_135, %add3A_152 : i32
      %lt3A_154 = arith.constant 160 : i32
      %lt3A_155 = arith.cmpi slt, %add3A_153, %lt3A_154 : i32
      %convert_element_type3A_156 = arith.extui %lt3A_155 : i1 to i32
      %cond3A_157 = arith.constant 0 : i32
      %cond3A_158 = arith.cmpi ne, %convert_element_type3A_156, %cond3A_157 : i32
      scf.if %cond3A_158 {
        %ge3A = arith.constant 2 : i32
        %ge3A_213 = arith.cmpi sge, %add3A_135, %ge3A : i32
        %convert_element_type3A_214 = arith.extui %ge3A_213 : i1 to i32
        %cond3A_215 = arith.constant 0 : i32
        %cond3A_216 = arith.cmpi ne, %convert_element_type3A_214, %cond3A_215 : i32
        scf.if %cond3A_216 {
          %sub3A = arith.constant 2 : i32
          %sub3A_229 = arith.subi %add3A_135, %sub3A : i32
          %dma_wait3A_230 = arith.constant 0 : i32
          %dma_wait3A_231 = tpu.memref_slice %arg7[%sub3A_229, %dma_wait3A_230] : memref<160x125xi32, #tpu.memory_space<vmem>> -> memref<1x125xi32, #tpu.memory_space<vmem>>
          %dma_wait3A_232 = tpu.memref_squeeze %dma_wait3A_231 : memref<1x125xi32, #tpu.memory_space<vmem>> -> memref<125xi32, #tpu.memory_space<vmem>>
          %dma_wait3A_233 = arith.constant 0 : i32
          %dma_wait3A_234 = arith.constant 0 : i32
          %dma_wait3A_235 = tpu.memref_slice %arg12[%dma_wait3A_233, %dma_wait3A_234] : memref<10008x64xf32, #tpu.memory_space<vmem_shared>> -> memref<10008x64xf32, #tpu.memory_space<vmem_shared>>
          tpu.wait_indirect_dma semaphore(%arg20 : memref<!tpu.dma_semaphore, #tpu.memory_space<semaphore_mem>>) src(%arg11 : memref<125x64xf32, #tpu.memory_space<vmem>>) dst(%dma_wait3A_235 : memref<10008x64xf32, #tpu.memory_space<vmem_shared>>)
        } else {
        }
        %add3A_217 = arith.constant 2 : i32
        %add3A_218 = arith.addi %add3A_135, %add3A_217 : i32
        %dma_start3A_219 = arith.constant 0 : i32
        %dma_start3A_220 = tpu.memref_slice %arg6[%add3A_218, %dma_start3A_219] : memref<160x125xi32, #tpu.memory_space<vmem>> -> memref<1x125xi32, #tpu.memory_space<vmem>>
        %dma_start3A_221 = tpu.memref_squeeze %dma_start3A_220 : memref<1x125xi32, #tpu.memory_space<vmem>> -> memref<125xi32, #tpu.memory_space<vmem>>
        %dma_start3A_222 = arith.constant 0 : i32
        %dma_start3A_223 = arith.constant 0 : i32
        %dma_start3A_224 = tpu.memref_slice %arg2[%arg0, %dma_start3A_222, %dma_start3A_223] : memref<2x10000x64xf32, #tpu.memory_space<hbm>> -> memref<1x10000x64xf32, #tpu.memory_space<hbm>>
        %dma_start3A_225 = tpu.memref_squeeze %dma_start3A_224 : memref<1x10000x64xf32, #tpu.memory_space<hbm>> -> memref<10000x64xf32, #tpu.memory_space<hbm>>
        %dma_start3A_226 = arith.constant 0 : i32
        %dma_start3A_227 = arith.constant 0 : i32
        %dma_start3A_228 = tpu.memref_slice %dma_start3A_225[%dma_start3A_226, %dma_start3A_227] : memref<10000x64xf32, #tpu.memory_space<hbm>> -> memref<10000x64xf32, #tpu.memory_space<hbm>>
        tpu.enqueue_indirect_dma source(%dma_start3A_228 : memref<10000x64xf32, #tpu.memory_space<hbm>>) target(%arg11 : memref<125x64xf32, #tpu.memory_space<vmem>>) offsets(%dma_start3A_221 : memref<125xi32, #tpu.memory_space<vmem>>) semaphore(%arg16 : memref<!tpu.dma_semaphore, #tpu.memory_space<semaphore_mem>>)
      } else {
      }
      %mul3A_159 = arith.constant 4 : i32
      %mul3A_160 = arith.muli %mul3A_159, %scan3A_106 : i32
      %add3A_161 = arith.constant 2 : i32
      %add3A_162 = arith.addi %mul3A_160, %add3A_161 : i32
      %dma_wait3A_163 = arith.constant 0 : i32
      %dma_wait3A_164 = tpu.memref_slice %arg6[%add3A_162, %dma_wait3A_163] : memref<160x125xi32, #tpu.memory_space<vmem>> -> memref<1x125xi32, #tpu.memory_space<vmem>>
      %dma_wait3A_165 = tpu.memref_squeeze %dma_wait3A_164 : memref<1x125xi32, #tpu.memory_space<vmem>> -> memref<125xi32, #tpu.memory_space<vmem>>
      %dma_wait3A_166 = arith.constant 0 : i32
      %dma_wait3A_167 = arith.constant 0 : i32
      %dma_wait3A_168 = tpu.memref_slice %arg2[%arg0, %dma_wait3A_166, %dma_wait3A_167] : memref<2x10000x64xf32, #tpu.memory_space<hbm>> -> memref<1x10000x64xf32, #tpu.memory_space<hbm>>
      %dma_wait3A_169 = tpu.memref_squeeze %dma_wait3A_168 : memref<1x10000x64xf32, #tpu.memory_space<hbm>> -> memref<10000x64xf32, #tpu.memory_space<hbm>>
      %dma_wait3A_170 = arith.constant 0 : i32
      %dma_wait3A_171 = arith.constant 0 : i32
      %dma_wait3A_172 = tpu.memref_slice %dma_wait3A_169[%dma_wait3A_170, %dma_wait3A_171] : memref<10000x64xf32, #tpu.memory_space<hbm>> -> memref<10000x64xf32, #tpu.memory_space<hbm>>
      tpu.wait_indirect_dma semaphore(%arg15 : memref<!tpu.dma_semaphore, #tpu.memory_space<semaphore_mem>>) src(%dma_wait3A_172 : memref<10000x64xf32, #tpu.memory_space<hbm>>) dst(%arg10 : memref<125x64xf32, #tpu.memory_space<vmem>>)
      %dma_start3A_173 = arith.constant 0 : i32
      %dma_start3A_174 = tpu.memref_slice %arg7[%add3A_162, %dma_start3A_173] : memref<160x125xi32, #tpu.memory_space<vmem>> -> memref<1x125xi32, #tpu.memory_space<vmem>>
      %dma_start3A_175 = tpu.memref_squeeze %dma_start3A_174 : memref<1x125xi32, #tpu.memory_space<vmem>> -> memref<125xi32, #tpu.memory_space<vmem>>
      %dma_start3A_176 = arith.constant 0 : i32
      %dma_start3A_177 = arith.constant 0 : i32
      %dma_start3A_178 = tpu.memref_slice %arg12[%dma_start3A_176, %dma_start3A_177] : memref<10008x64xf32, #tpu.memory_space<vmem_shared>> -> memref<10008x64xf32, #tpu.memory_space<vmem_shared>>
      tpu.enqueue_indirect_dma source(%arg10 : memref<125x64xf32, #tpu.memory_space<vmem>>) target(%dma_start3A_178 : memref<10008x64xf32, #tpu.memory_space<vmem_shared>>) offsets(%dma_start3A_175 : memref<125xi32, #tpu.memory_space<vmem>>) semaphore(%arg19 : memref<!tpu.dma_semaphore, #tpu.memory_space<semaphore_mem>>) {add = true}
      %add3A_179 = arith.constant 2 : i32
      %add3A_180 = arith.addi %add3A_162, %add3A_179 : i32
      %lt3A_181 = arith.constant 160 : i32
      %lt3A_182 = arith.cmpi slt, %add3A_180, %lt3A_181 : i32
      %convert_element_type3A_183 = arith.extui %lt3A_182 : i1 to i32
      %cond3A_184 = arith.constant 0 : i32
      %cond3A_185 = arith.cmpi ne, %convert_element_type3A_183, %cond3A_184 : i32
      scf.if %cond3A_185 {
        %ge3A = arith.constant 2 : i32
        %ge3A_213 = arith.cmpi sge, %add3A_162, %ge3A : i32
        %convert_element_type3A_214 = arith.extui %ge3A_213 : i1 to i32
        %cond3A_215 = arith.constant 0 : i32
        %cond3A_216 = arith.cmpi ne, %convert_element_type3A_214, %cond3A_215 : i32
        scf.if %cond3A_216 {
          %sub3A = arith.constant 2 : i32
          %sub3A_229 = arith.subi %add3A_162, %sub3A : i32
          %dma_wait3A_230 = arith.constant 0 : i32
          %dma_wait3A_231 = tpu.memref_slice %arg7[%sub3A_229, %dma_wait3A_230] : memref<160x125xi32, #tpu.memory_space<vmem>> -> memref<1x125xi32, #tpu.memory_space<vmem>>
          %dma_wait3A_232 = tpu.memref_squeeze %dma_wait3A_231 : memref<1x125xi32, #tpu.memory_space<vmem>> -> memref<125xi32, #tpu.memory_space<vmem>>
          %dma_wait3A_233 = arith.constant 0 : i32
          %dma_wait3A_234 = arith.constant 0 : i32
          %dma_wait3A_235 = tpu.memref_slice %arg12[%dma_wait3A_233, %dma_wait3A_234] : memref<10008x64xf32, #tpu.memory_space<vmem_shared>> -> memref<10008x64xf32, #tpu.memory_space<vmem_shared>>
          tpu.wait_indirect_dma semaphore(%arg17 : memref<!tpu.dma_semaphore, #tpu.memory_space<semaphore_mem>>) src(%arg8 : memref<125x64xf32, #tpu.memory_space<vmem>>) dst(%dma_wait3A_235 : memref<10008x64xf32, #tpu.memory_space<vmem_shared>>)
        } else {
        }
        %add3A_217 = arith.constant 2 : i32
        %add3A_218 = arith.addi %add3A_162, %add3A_217 : i32
        %dma_start3A_219 = arith.constant 0 : i32
        %dma_start3A_220 = tpu.memref_slice %arg6[%add3A_218, %dma_start3A_219] : memref<160x125xi32, #tpu.memory_space<vmem>> -> memref<1x125xi32, #tpu.memory_space<vmem>>
        %dma_start3A_221 = tpu.memref_squeeze %dma_start3A_220 : memref<1x125xi32, #tpu.memory_space<vmem>> -> memref<125xi32, #tpu.memory_space<vmem>>
        %dma_start3A_222 = arith.constant 0 : i32
        %dma_start3A_223 = arith.constant 0 : i32
        %dma_start3A_224 = tpu.memref_slice %arg2[%arg0, %dma_start3A_222, %dma_start3A_223] : memref<2x10000x64xf32, #tpu.memory_space<hbm>> -> memref<1x10000x64xf32, #tpu.memory_space<hbm>>
        %dma_start3A_225 = tpu.memref_squeeze %dma_start3A_224 : memref<1x10000x64xf32, #tpu.memory_space<hbm>> -> memref<10000x64xf32, #tpu.memory_space<hbm>>
        %dma_start3A_226 = arith.constant 0 : i32
        %dma_start3A_227 = arith.constant 0 : i32
        %dma_start3A_228 = tpu.memref_slice %dma_start3A_225[%dma_start3A_226, %dma_start3A_227] : memref<10000x64xf32, #tpu.memory_space<hbm>> -> memref<10000x64xf32, #tpu.memory_space<hbm>>
        tpu.enqueue_indirect_dma source(%dma_start3A_228 : memref<10000x64xf32, #tpu.memory_space<hbm>>) target(%arg8 : memref<125x64xf32, #tpu.memory_space<vmem>>) offsets(%dma_start3A_221 : memref<125xi32, #tpu.memory_space<vmem>>) semaphore(%arg13 : memref<!tpu.dma_semaphore, #tpu.memory_space<semaphore_mem>>)
      } else {
      }
      %mul3A_186 = arith.constant 4 : i32
      %mul3A_187 = arith.muli %mul3A_186, %scan3A_106 : i32
      %add3A_188 = arith.constant 3 : i32
      %add3A_189 = arith.addi %mul3A_187, %add3A_188 : i32
      %dma_wait3A_190 = arith.constant 0 : i32
      %dma_wait3A_191 = tpu.memref_slice %arg6[%add3A_189, %dma_wait3A_190] : memref<160x125xi32, #tpu.memory_space<vmem>> -> memref<1x125xi32, #tpu.memory_space<vmem>>
      %dma_wait3A_192 = tpu.memref_squeeze %dma_wait3A_191 : memref<1x125xi32, #tpu.memory_space<vmem>> -> memref<125xi32, #tpu.memory_space<vmem>>
      %dma_wait3A_193 = arith.constant 0 : i32
      %dma_wait3A_194 = arith.constant 0 : i32
      %dma_wait3A_195 = tpu.memref_slice %arg2[%arg0, %dma_wait3A_193, %dma_wait3A_194] : memref<2x10000x64xf32, #tpu.memory_space<hbm>> -> memref<1x10000x64xf32, #tpu.memory_space<hbm>>
      %dma_wait3A_196 = tpu.memref_squeeze %dma_wait3A_195 : memref<1x10000x64xf32, #tpu.memory_space<hbm>> -> memref<10000x64xf32, #tpu.memory_space<hbm>>
      %dma_wait3A_197 = arith.constant 0 : i32
      %dma_wait3A_198 = arith.constant 0 : i32
      %dma_wait3A_199 = tpu.memref_slice %dma_wait3A_196[%dma_wait3A_197, %dma_wait3A_198] : memref<10000x64xf32, #tpu.memory_space<hbm>> -> memref<10000x64xf32, #tpu.memory_space<hbm>>
      tpu.wait_indirect_dma semaphore(%arg16 : memref<!tpu.dma_semaphore, #tpu.memory_space<semaphore_mem>>) src(%dma_wait3A_199 : memref<10000x64xf32, #tpu.memory_space<hbm>>) dst(%arg11 : memref<125x64xf32, #tpu.memory_space<vmem>>)
      %dma_start3A_200 = arith.constant 0 : i32
      %dma_start3A_201 = tpu.memref_slice %arg7[%add3A_189, %dma_start3A_200] : memref<160x125xi32, #tpu.memory_space<vmem>> -> memref<1x125xi32, #tpu.memory_space<vmem>>
      %dma_start3A_202 = tpu.memref_squeeze %dma_start3A_201 : memref<1x125xi32, #tpu.memory_space<vmem>> -> memref<125xi32, #tpu.memory_space<vmem>>
      %dma_start3A_203 = arith.constant 0 : i32
      %dma_start3A_204 = arith.constant 0 : i32
      %dma_start3A_205 = tpu.memref_slice %arg12[%dma_start3A_203, %dma_start3A_204] : memref<10008x64xf32, #tpu.memory_space<vmem_shared>> -> memref<10008x64xf32, #tpu.memory_space<vmem_shared>>
      tpu.enqueue_indirect_dma source(%arg11 : memref<125x64xf32, #tpu.memory_space<vmem>>) target(%dma_start3A_205 : memref<10008x64xf32, #tpu.memory_space<vmem_shared>>) offsets(%dma_start3A_202 : memref<125xi32, #tpu.memory_space<vmem>>) semaphore(%arg20 : memref<!tpu.dma_semaphore, #tpu.memory_space<semaphore_mem>>) {add = true}
      %add3A_206 = arith.constant 2 : i32
      %add3A_207 = arith.addi %add3A_189, %add3A_206 : i32
      %lt3A_208 = arith.constant 160 : i32
      %lt3A_209 = arith.cmpi slt, %add3A_207, %lt3A_208 : i32
      %convert_element_type3A_210 = arith.extui %lt3A_209 : i1 to i32
      %cond3A_211 = arith.constant 0 : i32
      %cond3A_212 = arith.cmpi ne, %convert_element_type3A_210, %cond3A_211 : i32
      scf.if %cond3A_212 {
        %ge3A = arith.constant 2 : i32
        %ge3A_213 = arith.cmpi sge, %add3A_189, %ge3A : i32
        %convert_element_type3A_214 = arith.extui %ge3A_213 : i1 to i32
        %cond3A_215 = arith.constant 0 : i32
        %cond3A_216 = arith.cmpi ne, %convert_element_type3A_214, %cond3A_215 : i32
        scf.if %cond3A_216 {
          %sub3A = arith.constant 2 : i32
          %sub3A_229 = arith.subi %add3A_189, %sub3A : i32
          %dma_wait3A_230 = arith.constant 0 : i32
          %dma_wait3A_231 = tpu.memref_slice %arg7[%sub3A_229, %dma_wait3A_230] : memref<160x125xi32, #tpu.memory_space<vmem>> -> memref<1x125xi32, #tpu.memory_space<vmem>>
          %dma_wait3A_232 = tpu.memref_squeeze %dma_wait3A_231 : memref<1x125xi32, #tpu.memory_space<vmem>> -> memref<125xi32, #tpu.memory_space<vmem>>
          %dma_wait3A_233 = arith.constant 0 : i32
          %dma_wait3A_234 = arith.constant 0 : i32
          %dma_wait3A_235 = tpu.memref_slice %arg12[%dma_wait3A_233, %dma_wait3A_234] : memref<10008x64xf32, #tpu.memory_space<vmem_shared>> -> memref<10008x64xf32, #tpu.memory_space<vmem_shared>>
          tpu.wait_indirect_dma semaphore(%arg18 : memref<!tpu.dma_semaphore, #tpu.memory_space<semaphore_mem>>) src(%arg9 : memref<125x64xf32, #tpu.memory_space<vmem>>) dst(%dma_wait3A_235 : memref<10008x64xf32, #tpu.memory_space<vmem_shared>>)
        } else {
        }
        %add3A_217 = arith.constant 2 : i32
        %add3A_218 = arith.addi %add3A_189, %add3A_217 : i32
        %dma_start3A_219 = arith.constant 0 : i32
        %dma_start3A_220 = tpu.memref_slice %arg6[%add3A_218, %dma_start3A_219] : memref<160x125xi32, #tpu.memory_space<vmem>> -> memref<1x125xi32, #tpu.memory_space<vmem>>
        %dma_start3A_221 = tpu.memref_squeeze %dma_start3A_220 : memref<1x125xi32, #tpu.memory_space<vmem>> -> memref<125xi32, #tpu.memory_space<vmem>>
        %dma_start3A_222 = arith.constant 0 : i32
        %dma_start3A_223 = arith.constant 0 : i32
        %dma_start3A_224 = tpu.memref_slice %arg2[%arg0, %dma_start3A_222, %dma_start3A_223] : memref<2x10000x64xf32, #tpu.memory_space<hbm>> -> memref<1x10000x64xf32, #tpu.memory_space<hbm>>
        %dma_start3A_225 = tpu.memref_squeeze %dma_start3A_224 : memref<1x10000x64xf32, #tpu.memory_space<hbm>> -> memref<10000x64xf32, #tpu.memory_space<hbm>>
        %dma_start3A_226 = arith.constant 0 : i32
        %dma_start3A_227 = arith.constant 0 : i32
        %dma_start3A_228 = tpu.memref_slice %dma_start3A_225[%dma_start3A_226, %dma_start3A_227] : memref<10000x64xf32, #tpu.memory_space<hbm>> -> memref<10000x64xf32, #tpu.memory_space<hbm>>
        tpu.enqueue_indirect_dma source(%dma_start3A_228 : memref<10000x64xf32, #tpu.memory_space<hbm>>) target(%arg9 : memref<125x64xf32, #tpu.memory_space<vmem>>) offsets(%dma_start3A_221 : memref<125xi32, #tpu.memory_space<vmem>>) semaphore(%arg14 : memref<!tpu.dma_semaphore, #tpu.memory_space<semaphore_mem>>)
      } else {
      }
    }
    %scan3A_66 = arith.constant 40 : i32
    %dma_wait3A_67 = arith.constant 156 : i32
    %dma_wait3A_68 = arith.constant 0 : i32
    %dma_wait3A_69 = tpu.memref_slice %arg7[%dma_wait3A_67, %dma_wait3A_68] : memref<160x125xi32, #tpu.memory_space<vmem>> -> memref<1x125xi32, #tpu.memory_space<vmem>>
    %dma_wait3A_70 = tpu.memref_squeeze %dma_wait3A_69 : memref<1x125xi32, #tpu.memory_space<vmem>> -> memref<125xi32, #tpu.memory_space<vmem>>
    %dma_wait3A_71 = arith.constant 0 : i32
    %dma_wait3A_72 = arith.constant 0 : i32
    %dma_wait3A_73 = tpu.memref_slice %arg12[%dma_wait3A_71, %dma_wait3A_72] : memref<10008x64xf32, #tpu.memory_space<vmem_shared>> -> memref<10008x64xf32, #tpu.memory_space<vmem_shared>>
    tpu.wait_indirect_dma semaphore(%arg17 : memref<!tpu.dma_semaphore, #tpu.memory_space<semaphore_mem>>) src(%arg8 : memref<125x64xf32, #tpu.memory_space<vmem>>) dst(%dma_wait3A_73 : memref<10008x64xf32, #tpu.memory_space<vmem_shared>>)
    %dma_wait3A_74 = arith.constant 157 : i32
    %dma_wait3A_75 = arith.constant 0 : i32
    %dma_wait3A_76 = tpu.memref_slice %arg7[%dma_wait3A_74, %dma_wait3A_75] : memref<160x125xi32, #tpu.memory_space<vmem>> -> memref<1x125xi32, #tpu.memory_space<vmem>>
    %dma_wait3A_77 = tpu.memref_squeeze %dma_wait3A_76 : memref<1x125xi32, #tpu.memory_space<vmem>> -> memref<125xi32, #tpu.memory_space<vmem>>
    %dma_wait3A_78 = arith.constant 0 : i32
    %dma_wait3A_79 = arith.constant 0 : i32
    %dma_wait3A_80 = tpu.memref_slice %arg12[%dma_wait3A_78, %dma_wait3A_79] : memref<10008x64xf32, #tpu.memory_space<vmem_shared>> -> memref<10008x64xf32, #tpu.memory_space<vmem_shared>>
    tpu.wait_indirect_dma semaphore(%arg18 : memref<!tpu.dma_semaphore, #tpu.memory_space<semaphore_mem>>) src(%arg9 : memref<125x64xf32, #tpu.memory_space<vmem>>) dst(%dma_wait3A_80 : memref<10008x64xf32, #tpu.memory_space<vmem_shared>>)
    %dma_wait3A_81 = arith.constant 158 : i32
    %dma_wait3A_82 = arith.constant 0 : i32
    %dma_wait3A_83 = tpu.memref_slice %arg7[%dma_wait3A_81, %dma_wait3A_82] : memref<160x125xi32, #tpu.memory_space<vmem>> -> memref<1x125xi32, #tpu.memory_space<vmem>>
    %dma_wait3A_84 = tpu.memref_squeeze %dma_wait3A_83 : memref<1x125xi32, #tpu.memory_space<vmem>> -> memref<125xi32, #tpu.memory_space<vmem>>
    %dma_wait3A_85 = arith.constant 0 : i32
    %dma_wait3A_86 = arith.constant 0 : i32
    %dma_wait3A_87 = tpu.memref_slice %arg12[%dma_wait3A_85, %dma_wait3A_86] : memref<10008x64xf32, #tpu.memory_space<vmem_shared>> -> memref<10008x64xf32, #tpu.memory_space<vmem_shared>>
    tpu.wait_indirect_dma semaphore(%arg19 : memref<!tpu.dma_semaphore, #tpu.memory_space<semaphore_mem>>) src(%arg10 : memref<125x64xf32, #tpu.memory_space<vmem>>) dst(%dma_wait3A_87 : memref<10008x64xf32, #tpu.memory_space<vmem_shared>>)
    %dma_wait3A_88 = arith.constant 159 : i32
    %dma_wait3A_89 = arith.constant 0 : i32
    %dma_wait3A_90 = tpu.memref_slice %arg7[%dma_wait3A_88, %dma_wait3A_89] : memref<160x125xi32, #tpu.memory_space<vmem>> -> memref<1x125xi32, #tpu.memory_space<vmem>>
    %dma_wait3A_91 = tpu.memref_squeeze %dma_wait3A_90 : memref<1x125xi32, #tpu.memory_space<vmem>> -> memref<125xi32, #tpu.memory_space<vmem>>
    %dma_wait3A_92 = arith.constant 0 : i32
    %dma_wait3A_93 = arith.constant 0 : i32
    %dma_wait3A_94 = tpu.memref_slice %arg12[%dma_wait3A_92, %dma_wait3A_93] : memref<10008x64xf32, #tpu.memory_space<vmem_shared>> -> memref<10008x64xf32, #tpu.memory_space<vmem_shared>>
    tpu.wait_indirect_dma semaphore(%arg20 : memref<!tpu.dma_semaphore, #tpu.memory_space<semaphore_mem>>) src(%arg11 : memref<125x64xf32, #tpu.memory_space<vmem>>) dst(%dma_wait3A_94 : memref<10008x64xf32, #tpu.memory_space<vmem_shared>>)
    %barrier3A_95 = arith.constant 0 : index
    tpu.barrier barrier_id(%barrier3A_95)
    %lt3A_96 = arith.constant 15 : i32
    %lt3A_97 = arith.cmpi slt, %arg1, %lt3A_96 : i32
    %convert_element_type3A_98 = arith.extui %lt3A_97 : i1 to i32
    %cond3A_99 = arith.constant 0 : i32
    %cond3A_100 = arith.cmpi ne, %convert_element_type3A_98, %cond3A_99 : i32
    scf.if %cond3A_100 {
      %mul3A = arith.constant 624 : i32
      %mul3A_106 = arith.muli %arg1, %mul3A : i32
      %mul3A_107 = arith.constant 624 : i32
      %mul3A_108 = arith.muli %arg1, %mul3A_107 : i32
      %mul3A_109 = arith.constant 64 : i32
      %mul3A_110 = arith.muli %arg0, %mul3A_109 : i32
      "tpu.region"() ({
        %run_scoped3A = tpu.sem_alloc : memref<!tpu.dma_semaphore, #tpu.memory_space<semaphore_mem>>
        %dma_start3A_111 = tpu.memref_slice %arg5[%mul3A_108, %mul3A_110] : memref<10000x128xf32, #tpu.memory_space<hbm>> -> memref<624x64xf32, #tpu.memory_space<hbm>>
        %dma_start3A_112 = arith.constant 0 : i32
        %dma_start3A_113 = tpu.memref_slice %arg12[%mul3A_106, %dma_start3A_112] : memref<10008x64xf32, #tpu.memory_space<vmem_shared>> -> memref<624x64xf32, #tpu.memory_space<vmem_shared>>
        tpu.enqueue_dma source(%dma_start3A_113 : memref<624x64xf32, #tpu.memory_space<vmem_shared>>) target(%dma_start3A_111 : memref<624x64xf32, #tpu.memory_space<hbm>>) target_semaphore(%run_scoped3A : memref<!tpu.dma_semaphore, #tpu.memory_space<semaphore_mem>>)
        %dma_wait3A_114 = tpu.memref_slice %arg5[%mul3A_108, %mul3A_110] : memref<10000x128xf32, #tpu.memory_space<hbm>> -> memref<624x64xf32, #tpu.memory_space<hbm>>
        %dma_wait3A_115 = arith.constant 0 : i32
        %dma_wait3A_116 = tpu.memref_slice %arg12[%mul3A_106, %dma_wait3A_115] : memref<10008x64xf32, #tpu.memory_space<vmem_shared>> -> memref<624x64xf32, #tpu.memory_space<vmem_shared>>
        tpu.wait_dma2 semaphore(%run_scoped3A : memref<!tpu.dma_semaphore, #tpu.memory_space<semaphore_mem>>) src(%dma_wait3A_116 : memref<624x64xf32, #tpu.memory_space<vmem_shared>>) dst(%dma_wait3A_114 : memref<624x64xf32, #tpu.memory_space<hbm>>)
        tpu.yield
      }) : () -> ()
    } else {
    }
    %eq3A_101 = arith.constant 15 : i32
    %eq3A_102 = arith.cmpi eq, %arg1, %eq3A_101 : i32
    %convert_element_type3A_103 = arith.extui %eq3A_102 : i1 to i32
    %cond3A_104 = arith.constant 0 : i32
    %cond3A_105 = arith.cmpi ne, %convert_element_type3A_103, %cond3A_104 : i32
    scf.if %cond3A_105 {
      %mul3A = arith.constant 624 : i32
      %mul3A_106 = arith.muli %arg1, %mul3A : i32
      %mul3A_107 = arith.constant 624 : i32
      %mul3A_108 = arith.muli %arg1, %mul3A_107 : i32
      %mul3A_109 = arith.constant 64 : i32
      %mul3A_110 = arith.muli %arg0, %mul3A_109 : i32
      "tpu.region"() ({
        %run_scoped3A = tpu.sem_alloc : memref<!tpu.dma_semaphore, #tpu.memory_space<semaphore_mem>>
        %dma_start3A_111 = tpu.memref_slice %arg5[%mul3A_108, %mul3A_110] : memref<10000x128xf32, #tpu.memory_space<hbm>> -> memref<640x64xf32, #tpu.memory_space<hbm>>
        %dma_start3A_112 = arith.constant 0 : i32
        %dma_start3A_113 = tpu.memref_slice %arg12[%mul3A_106, %dma_start3A_112] : memref<10008x64xf32, #tpu.memory_space<vmem_shared>> -> memref<640x64xf32, #tpu.memory_space<vmem_shared>>
        tpu.enqueue_dma source(%dma_start3A_113 : memref<640x64xf32, #tpu.memory_space<vmem_shared>>) target(%dma_start3A_111 : memref<640x64xf32, #tpu.memory_space<hbm>>) target_semaphore(%run_scoped3A : memref<!tpu.dma_semaphore, #tpu.memory_space<semaphore_mem>>)
        %dma_wait3A_114 = tpu.memref_slice %arg5[%mul3A_108, %mul3A_110] : memref<10000x128xf32, #tpu.memory_space<hbm>> -> memref<640x64xf32, #tpu.memory_space<hbm>>
        %dma_wait3A_115 = arith.constant 0 : i32
        %dma_wait3A_116 = tpu.memref_slice %arg12[%mul3A_106, %dma_wait3A_115] : memref<10008x64xf32, #tpu.memory_space<vmem_shared>> -> memref<640x64xf32, #tpu.memory_space<vmem_shared>>
        tpu.wait_dma2 semaphore(%run_scoped3A : memref<!tpu.dma_semaphore, #tpu.memory_space<semaphore_mem>>) src(%dma_wait3A_116 : memref<640x64xf32, #tpu.memory_space<vmem_shared>>) dst(%dma_wait3A_114 : memref<640x64xf32, #tpu.memory_space<hbm>>)
        tpu.yield
      }) : () -> ()
    } else {
    }
    return
  }
}

#map = affine_map<(d0, d1) -> (0, 0, 0)>
#map1 = affine_map<(d0, d1) -> (0, 0, 0, 0)>
#map2 = affine_map<(d0, d1) -> (0, 0)>
module attributes {stable_mosaic.version = 14 : i64} {
  func.func @segsum(%arg0: i32, %arg1: i32, %arg2: memref<2x10000x64xf32, #tpu.memory_space<hbm>>, %arg3: memref<2x16x160x125xi32, #tpu.memory_space<hbm>>, %arg4: memref<640x64xf32, #tpu.memory_space<hbm>>, %arg5: memref<10000x128xf32, #tpu.memory_space<hbm>>, %arg6: memref<160x125xi32, #tpu.memory_space<vmem>>, %arg7: memref<160x125xi32, #tpu.memory_space<vmem>>, %arg8: memref<125x64xf32, #tpu.memory_space<vmem>>, %arg9: memref<125x64xf32, #tpu.memory_space<vmem>>, %arg10: memref<125x64xf32, #tpu.memory_space<vmem>>, %arg11: memref<125x64xf32, #tpu.memory_space<vmem>>, %arg12: memref<10008x64xf32, #tpu.memory_space<vmem_shared>>, %arg13: memref<!tpu.dma_semaphore, #tpu.memory_space<semaphore_mem>>, %arg14: memref<!tpu.dma_semaphore, #tpu.memory_space<semaphore_mem>>, %arg15: memref<!tpu.dma_semaphore, #tpu.memory_space<semaphore_mem>>, %arg16: memref<!tpu.dma_semaphore, #tpu.memory_space<semaphore_mem>>, %arg17: memref<!tpu.dma_semaphore, #tpu.memory_space<semaphore_mem>>, %arg18: memref<!tpu.dma_semaphore, #tpu.memory_space<semaphore_mem>>, %arg19: memref<!tpu.dma_semaphore, #tpu.memory_space<semaphore_mem>>, %arg20: memref<!tpu.dma_semaphore, #tpu.memory_space<semaphore_mem>>, %arg21: memref<!tpu.dma_semaphore, #tpu.memory_space<semaphore_mem>>) attributes {dimension_semantics = [#tpu.dimension_semantics<core_parallel>, #tpu.dimension_semantics<subcore_parallel>], iteration_bounds = array<i64: 2, 16>, scalar_prefetch = 0 : i64, scratch_operands = 16 : i64, tpu.core_type = #tpu.core_type<sc_vector_subcore>, window_params = [{transform_indices = #map}, {transform_indices = #map1}, {transform_indices = #map2}, {transform_indices = #map2}]} {
    %dma_start3A = arith.constant 0 : i32
    %dma_start3A_0 = arith.constant 0 : i32
    %dma_start3A_1 = arith.constant 0 : i32
    %dma_start3A_2 = tpu.memref_slice %arg3[%dma_start3A, %arg1, %dma_start3A_0, %dma_start3A_1] : memref<2x16x160x125xi32, #tpu.memory_space<hbm>> -> memref<1x1x160x125xi32, #tpu.memory_space<hbm>>
    %dma_start3A_3 = tpu.memref_squeeze %dma_start3A_2 : memref<1x1x160x125xi32, #tpu.memory_space<hbm>> -> memref<160x125xi32, #tpu.memory_space<hbm>>
    %dma_start3A_4 = arith.constant 0 : i32
    %dma_start3A_5 = arith.constant 0 : i32
    %dma_start3A_6 = tpu.memref_slice %arg3[%dma_start3A, %arg1, %dma_start3A_4, %dma_start3A_5] : memref<2x16x160x125xi32, #tpu.memory_space<hbm>> -> memref<1x1x160x125xi32, #tpu.memory_space<hbm>>
    %dma_start3A_7 = tpu.memref_squeeze %dma_start3A_6 : memref<1x1x160x125xi32, #tpu.memory_space<hbm>> -> memref<160x125xi32, #tpu.memory_space<hbm>>
    tpu.enqueue_dma source(%dma_start3A_7 : memref<160x125xi32, #tpu.memory_space<hbm>>) target(%arg6 : memref<160x125xi32, #tpu.memory_space<vmem>>) target_semaphore(%arg21 : memref<!tpu.dma_semaphore, #tpu.memory_space<semaphore_mem>>)
    %dma_start3A_8 = arith.constant 1 : i32
    %dma_start3A_9 = arith.constant 0 : i32
    %dma_start3A_10 = arith.constant 0 : i32
    %dma_start3A_11 = tpu.memref_slice %arg3[%dma_start3A_8, %arg1, %dma_start3A_9, %dma_start3A_10] : memref<2x16x160x125xi32, #tpu.memory_space<hbm>> -> memref<1x1x160x125xi32, #tpu.memory_space<hbm>>
    %dma_start3A_12 = tpu.memref_squeeze %dma_start3A_11 : memref<1x1x160x125xi32, #tpu.memory_space<hbm>> -> memref<160x125xi32, #tpu.memory_space<hbm>>
    %dma_start3A_13 = arith.constant 0 : i32
    %dma_start3A_14 = arith.constant 0 : i32
    %dma_start3A_15 = tpu.memref_slice %arg3[%dma_start3A_8, %arg1, %dma_start3A_13, %dma_start3A_14] : memref<2x16x160x125xi32, #tpu.memory_space<hbm>> -> memref<1x1x160x125xi32, #tpu.memory_space<hbm>>
    %dma_start3A_16 = tpu.memref_squeeze %dma_start3A_15 : memref<1x1x160x125xi32, #tpu.memory_space<hbm>> -> memref<160x125xi32, #tpu.memory_space<hbm>>
    tpu.enqueue_dma source(%dma_start3A_16 : memref<160x125xi32, #tpu.memory_space<hbm>>) target(%arg7 : memref<160x125xi32, #tpu.memory_space<vmem>>) target_semaphore(%arg21 : memref<!tpu.dma_semaphore, #tpu.memory_space<semaphore_mem>>)
    %lt3A = arith.constant 15 : i32
    %lt3A_17 = arith.cmpi slt, %arg1, %lt3A : i32
    %convert_element_type3A = arith.extui %lt3A_17 : i1 to i32
    %cond3A = arith.constant 0 : i32
    %cond3A_18 = arith.cmpi ne, %convert_element_type3A, %cond3A : i32
    scf.if %cond3A_18 {
      %mul3A = arith.constant 624 : i32
      %mul3A_106 = arith.muli %arg1, %mul3A : i32
      "tpu.region"() ({
        %run_scoped3A = tpu.sem_alloc : memref<!tpu.dma_semaphore, #tpu.memory_space<semaphore_mem>>
        %dma_start3A_107 = arith.constant 0 : i32
        %dma_start3A_108 = tpu.memref_slice %arg12[%mul3A_106, %dma_start3A_107] : memref<10008x64xf32, #tpu.memory_space<vmem_shared>> -> memref<624x64xf32, #tpu.memory_space<vmem_shared>>
        %dma_start3A_109 = arith.constant 0 : i32
        %dma_start3A_110 = arith.constant 0 : i32
        %dma_start3A_111 = tpu.memref_slice %arg4[%dma_start3A_109, %dma_start3A_110] : memref<640x64xf32, #tpu.memory_space<hbm>> -> memref<624x64xf32, #tpu.memory_space<hbm>>
        tpu.enqueue_dma source(%dma_start3A_111 : memref<624x64xf32, #tpu.memory_space<hbm>>) target(%dma_start3A_108 : memref<624x64xf32, #tpu.memory_space<vmem_shared>>) target_semaphore(%run_scoped3A : memref<!tpu.dma_semaphore, #tpu.memory_space<semaphore_mem>>)
        %dma_wait3A_112 = arith.constant 0 : i32
        %dma_wait3A_113 = tpu.memref_slice %arg12[%mul3A_106, %dma_wait3A_112] : memref<10008x64xf32, #tpu.memory_space<vmem_shared>> -> memref<624x64xf32, #tpu.memory_space<vmem_shared>>
        %dma_wait3A_114 = arith.constant 0 : i32
        %dma_wait3A_115 = arith.constant 0 : i32
        %dma_wait3A_116 = tpu.memref_slice %arg4[%dma_wait3A_114, %dma_wait3A_115] : memref<640x64xf32, #tpu.memory_space<hbm>> -> memref<624x64xf32, #tpu.memory_space<hbm>>
        tpu.wait_dma2 semaphore(%run_scoped3A : memref<!tpu.dma_semaphore, #tpu.memory_space<semaphore_mem>>) src(%dma_wait3A_116 : memref<624x64xf32, #tpu.memory_space<hbm>>) dst(%dma_wait3A_113 : memref<624x64xf32, #tpu.memory_space<vmem_shared>>)
        tpu.yield
      }) : () -> ()
    } else {
    }
    %eq3A = arith.constant 15 : i32
    %eq3A_19 = arith.cmpi eq, %arg1, %eq3A : i32
    %convert_element_type3A_20 = arith.extui %eq3A_19 : i1 to i32
    %cond3A_21 = arith.constant 0 : i32
    %cond3A_22 = arith.cmpi ne, %convert_element_type3A_20, %cond3A_21 : i32
    scf.if %cond3A_22 {
      %mul3A = arith.constant 624 : i32
      %mul3A_106 = arith.muli %arg1, %mul3A : i32
      "tpu.region"() ({
        %run_scoped3A = tpu.sem_alloc : memref<!tpu.dma_semaphore, #tpu.memory_space<semaphore_mem>>
        %dma_start3A_107 = arith.constant 0 : i32
        %dma_start3A_108 = tpu.memref_slice %arg12[%mul3A_106, %dma_start3A_107] : memref<10008x64xf32, #tpu.memory_space<vmem_shared>> -> memref<640x64xf32, #tpu.memory_space<vmem_shared>>
        tpu.enqueue_dma source(%arg4 : memref<640x64xf32, #tpu.memory_space<hbm>>) target(%dma_start3A_108 : memref<640x64xf32, #tpu.memory_space<vmem_shared>>) target_semaphore(%run_scoped3A : memref<!tpu.dma_semaphore, #tpu.memory_space<semaphore_mem>>)
        %dma_wait3A_109 = arith.constant 0 : i32
        %dma_wait3A_110 = tpu.memref_slice %arg12[%mul3A_106, %dma_wait3A_109] : memref<10008x64xf32, #tpu.memory_space<vmem_shared>> -> memref<640x64xf32, #tpu.memory_space<vmem_shared>>
        tpu.wait_dma2 semaphore(%run_scoped3A : memref<!tpu.dma_semaphore, #tpu.memory_space<semaphore_mem>>) src(%arg4 : memref<640x64xf32, #tpu.memory_space<hbm>>) dst(%dma_wait3A_110 : memref<640x64xf32, #tpu.memory_space<vmem_shared>>)
        tpu.yield
      }) : () -> ()
    } else {
    }
    %dma_wait3A = arith.constant 0 : i32
    %dma_wait3A_23 = arith.constant 0 : i32
    %dma_wait3A_24 = arith.constant 0 : i32
    %dma_wait3A_25 = tpu.memref_slice %arg3[%dma_wait3A, %arg1, %dma_wait3A_23, %dma_wait3A_24] : memref<2x16x160x125xi32, #tpu.memory_space<hbm>> -> memref<1x1x160x125xi32, #tpu.memory_space<hbm>>
    %dma_wait3A_26 = tpu.memref_squeeze %dma_wait3A_25 : memref<1x1x160x125xi32, #tpu.memory_space<hbm>> -> memref<160x125xi32, #tpu.memory_space<hbm>>
    %dma_wait3A_27 = arith.constant 0 : i32
    %dma_wait3A_28 = arith.constant 0 : i32
    %dma_wait3A_29 = tpu.memref_slice %arg3[%dma_wait3A, %arg1, %dma_wait3A_27, %dma_wait3A_28] : memref<2x16x160x125xi32, #tpu.memory_space<hbm>> -> memref<1x1x160x125xi32, #tpu.memory_space<hbm>>
    %dma_wait3A_30 = tpu.memref_squeeze %dma_wait3A_29 : memref<1x1x160x125xi32, #tpu.memory_space<hbm>> -> memref<160x125xi32, #tpu.memory_space<hbm>>
    tpu.wait_dma2 semaphore(%arg21 : memref<!tpu.dma_semaphore, #tpu.memory_space<semaphore_mem>>) src(%dma_wait3A_30 : memref<160x125xi32, #tpu.memory_space<hbm>>) dst(%arg6 : memref<160x125xi32, #tpu.memory_space<vmem>>)
    %dma_wait3A_31 = arith.constant 1 : i32
    %dma_wait3A_32 = arith.constant 0 : i32
    %dma_wait3A_33 = arith.constant 0 : i32
    %dma_wait3A_34 = tpu.memref_slice %arg3[%dma_wait3A_31, %arg1, %dma_wait3A_32, %dma_wait3A_33] : memref<2x16x160x125xi32, #tpu.memory_space<hbm>> -> memref<1x1x160x125xi32, #tpu.memory_space<hbm>>
    %dma_wait3A_35 = tpu.memref_squeeze %dma_wait3A_34 : memref<1x1x160x125xi32, #tpu.memory_space<hbm>> -> memref<160x125xi32, #tpu.memory_space<hbm>>
    %dma_wait3A_36 = arith.constant 0 : i32
    %dma_wait3A_37 = arith.constant 0 : i32
    %dma_wait3A_38 = tpu.memref_slice %arg3[%dma_wait3A_31, %arg1, %dma_wait3A_36, %dma_wait3A_37] : memref<2x16x160x125xi32, #tpu.memory_space<hbm>> -> memref<1x1x160x125xi32, #tpu.memory_space<hbm>>
    %dma_wait3A_39 = tpu.memref_squeeze %dma_wait3A_38 : memref<1x1x160x125xi32, #tpu.memory_space<hbm>> -> memref<160x125xi32, #tpu.memory_space<hbm>>
    tpu.wait_dma2 semaphore(%arg21 : memref<!tpu.dma_semaphore, #tpu.memory_space<semaphore_mem>>) src(%dma_wait3A_39 : memref<160x125xi32, #tpu.memory_space<hbm>>) dst(%arg7 : memref<160x125xi32, #tpu.memory_space<vmem>>)
    %barrier3A = arith.constant 0 : index
    tpu.barrier barrier_id(%barrier3A)
    %dma_start3A_40 = arith.constant 0 : i32
    %dma_start3A_41 = arith.constant 0 : i32
    %dma_start3A_42 = tpu.memref_slice %arg6[%dma_start3A_40, %dma_start3A_41] : memref<160x125xi32, #tpu.memory_space<vmem>> -> memref<1x125xi32, #tpu.memory_space<vmem>>
    %dma_start3A_43 = tpu.memref_squeeze %dma_start3A_42 : memref<1x125xi32, #tpu.memory_space<vmem>> -> memref<125xi32, #tpu.memory_space<vmem>>
    %dma_start3A_44 = arith.constant 0 : i32
    %dma_start3A_45 = arith.constant 0 : i32
    %dma_start3A_46 = tpu.memref_slice %arg2[%arg0, %dma_start3A_44, %dma_start3A_45] : memref<2x10000x64xf32, #tpu.memory_space<hbm>> -> memref<1x10000x64xf32, #tpu.memory_space<hbm>>
    %dma_start3A_47 = tpu.memref_squeeze %dma_start3A_46 : memref<1x10000x64xf32, #tpu.memory_space<hbm>> -> memref<10000x64xf32, #tpu.memory_space<hbm>>
    %dma_start3A_48 = arith.constant 0 : i32
    %dma_start3A_49 = arith.constant 0 : i32
    %dma_start3A_50 = tpu.memref_slice %dma_start3A_47[%dma_start3A_48, %dma_start3A_49] : memref<10000x64xf32, #tpu.memory_space<hbm>> -> memref<10000x64xf32, #tpu.memory_space<hbm>>
    tpu.enqueue_indirect_dma source(%dma_start3A_50 : memref<10000x64xf32, #tpu.memory_space<hbm>>) target(%arg8 : memref<125x64xf32, #tpu.memory_space<vmem>>) offsets(%dma_start3A_43 : memref<125xi32, #tpu.memory_space<vmem>>) semaphore(%arg13 : memref<!tpu.dma_semaphore, #tpu.memory_space<semaphore_mem>>)
    %dma_start3A_51 = arith.constant 1 : i32
    %dma_start3A_52 = arith.constant 0 : i32
    %dma_start3A_53 = tpu.memref_slice %arg6[%dma_start3A_51, %dma_start3A_52] : memref<160x125xi32, #tpu.memory_space<vmem>> -> memref<1x125xi32, #tpu.memory_space<vmem>>
    %dma_start3A_54 = tpu.memref_squeeze %dma_start3A_53 : memref<1x125xi32, #tpu.memory_space<vmem>> -> memref<125xi32, #tpu.memory_space<vmem>>
    %dma_start3A_55 = arith.constant 0 : i32
    %dma_start3A_56 = arith.constant 0 : i32
    %dma_start3A_57 = tpu.memref_slice %arg2[%arg0, %dma_start3A_55, %dma_start3A_56] : memref<2x10000x64xf32, #tpu.memory_space<hbm>> -> memref<1x10000x64xf32, #tpu.memory_space<hbm>>
    %dma_start3A_58 = tpu.memref_squeeze %dma_start3A_57 : memref<1x10000x64xf32, #tpu.memory_space<hbm>> -> memref<10000x64xf32, #tpu.memory_space<hbm>>
    %dma_start3A_59 = arith.constant 0 : i32
    %dma_start3A_60 = arith.constant 0 : i32
    %dma_start3A_61 = tpu.memref_slice %dma_start3A_58[%dma_start3A_59, %dma_start3A_60] : memref<10000x64xf32, #tpu.memory_space<hbm>> -> memref<10000x64xf32, #tpu.memory_space<hbm>>
    tpu.enqueue_indirect_dma source(%dma_start3A_61 : memref<10000x64xf32, #tpu.memory_space<hbm>>) target(%arg9 : memref<125x64xf32, #tpu.memory_space<vmem>>) offsets(%dma_start3A_54 : memref<125xi32, #tpu.memory_space<vmem>>) semaphore(%arg14 : memref<!tpu.dma_semaphore, #tpu.memory_space<semaphore_mem>>)
    %scan3A = arith.constant 0 : i32
    %scan3A_62 = arith.constant 0 : i32
    %scan3A_63 = arith.constant 40 : i32
    %scan3A_64 = arith.addi %scan3A_62, %scan3A_63 : i32
    %scan3A_65 = arith.constant 1 : i32
    scf.for %scan3A_106 = %scan3A_62 to %scan3A_64 step %scan3A_65  : i32 {
      %mul3A = arith.constant 4 : i32
      %mul3A_107 = arith.muli %mul3A, %scan3A_106 : i32
      %add3A = arith.constant 0 : i32
      %add3A_108 = arith.addi %mul3A_107, %add3A : i32
      %dma_wait3A_109 = arith.constant 0 : i32
      %dma_wait3A_110 = tpu.memref_slice %arg6[%add3A_108, %dma_wait3A_109] : memref<160x125xi32, #tpu.memory_space<vmem>> -> memref<1x125xi32, #tpu.memory_space<vmem>>
      %dma_wait3A_111 = tpu.memref_squeeze %dma_wait3A_110 : memref<1x125xi32, #tpu.memory_space<vmem>> -> memref<125xi32, #tpu.memory_space<vmem>>
      %dma_wait3A_112 = arith.constant 0 : i32
      %dma_wait3A_113 = arith.constant 0 : i32
      %dma_wait3A_114 = tpu.memref_slice %arg2[%arg0, %dma_wait3A_112, %dma_wait3A_113] : memref<2x10000x64xf32, #tpu.memory_space<hbm>> -> memref<1x10000x64xf32, #tpu.memory_space<hbm>>
      %dma_wait3A_115 = tpu.memref_squeeze %dma_wait3A_114 : memref<1x10000x64xf32, #tpu.memory_space<hbm>> -> memref<10000x64xf32, #tpu.memory_space<hbm>>
      %dma_wait3A_116 = arith.constant 0 : i32
      %dma_wait3A_117 = arith.constant 0 : i32
      %dma_wait3A_118 = tpu.memref_slice %dma_wait3A_115[%dma_wait3A_116, %dma_wait3A_117] : memref<10000x64xf32, #tpu.memory_space<hbm>> -> memref<10000x64xf32, #tpu.memory_space<hbm>>
      tpu.wait_indirect_dma semaphore(%arg13 : memref<!tpu.dma_semaphore, #tpu.memory_space<semaphore_mem>>) src(%dma_wait3A_118 : memref<10000x64xf32, #tpu.memory_space<hbm>>) dst(%arg8 : memref<125x64xf32, #tpu.memory_space<vmem>>)
      %dma_start3A_119 = arith.constant 0 : i32
      %dma_start3A_120 = tpu.memref_slice %arg7[%add3A_108, %dma_start3A_119] : memref<160x125xi32, #tpu.memory_space<vmem>> -> memref<1x125xi32, #tpu.memory_space<vmem>>
      %dma_start3A_121 = tpu.memref_squeeze %dma_start3A_120 : memref<1x125xi32, #tpu.memory_space<vmem>> -> memref<125xi32, #tpu.memory_space<vmem>>
      %dma_start3A_122 = arith.constant 0 : i32
      %dma_start3A_123 = arith.constant 0 : i32
      %dma_start3A_124 = tpu.memref_slice %arg12[%dma_start3A_122, %dma_start3A_123] : memref<10008x64xf32, #tpu.memory_space<vmem_shared>> -> memref<10008x64xf32, #tpu.memory_space<vmem_shared>>
      tpu.enqueue_indirect_dma source(%arg8 : memref<125x64xf32, #tpu.memory_space<vmem>>) target(%dma_start3A_124 : memref<10008x64xf32, #tpu.memory_space<vmem_shared>>) offsets(%dma_start3A_121 : memref<125xi32, #tpu.memory_space<vmem>>) semaphore(%arg17 : memref<!tpu.dma_semaphore, #tpu.memory_space<semaphore_mem>>) {add = true}
      %add3A_125 = arith.constant 2 : i32
      %add3A_126 = arith.addi %add3A_108, %add3A_125 : i32
      %lt3A_127 = arith.constant 160 : i32
      %lt3A_128 = arith.cmpi slt, %add3A_126, %lt3A_127 : i32
      %convert_element_type3A_129 = arith.extui %lt3A_128 : i1 to i32
      %cond3A_130 = arith.constant 0 : i32
      %cond3A_131 = arith.cmpi ne, %convert_element_type3A_129, %cond3A_130 : i32
      scf.if %cond3A_131 {
        %ge3A = arith.constant 2 : i32
        %ge3A_213 = arith.cmpi sge, %add3A_108, %ge3A : i32
        %convert_element_type3A_214 = arith.extui %ge3A_213 : i1 to i32
        %cond3A_215 = arith.constant 0 : i32
        %cond3A_216 = arith.cmpi ne, %convert_element_type3A_214, %cond3A_215 : i32
        scf.if %cond3A_216 {
          %sub3A = arith.constant 2 : i32
          %sub3A_229 = arith.subi %add3A_108, %sub3A : i32
          %dma_wait3A_230 = arith.constant 0 : i32
          %dma_wait3A_231 = tpu.memref_slice %arg7[%sub3A_229, %dma_wait3A_230] : memref<160x125xi32, #tpu.memory_space<vmem>> -> memref<1x125xi32, #tpu.memory_space<vmem>>
          %dma_wait3A_232 = tpu.memref_squeeze %dma_wait3A_231 : memref<1x125xi32, #tpu.memory_space<vmem>> -> memref<125xi32, #tpu.memory_space<vmem>>
          %dma_wait3A_233 = arith.constant 0 : i32
          %dma_wait3A_234 = arith.constant 0 : i32
          %dma_wait3A_235 = tpu.memref_slice %arg12[%dma_wait3A_233, %dma_wait3A_234] : memref<10008x64xf32, #tpu.memory_space<vmem_shared>> -> memref<10008x64xf32, #tpu.memory_space<vmem_shared>>
          tpu.wait_indirect_dma semaphore(%arg19 : memref<!tpu.dma_semaphore, #tpu.memory_space<semaphore_mem>>) src(%arg10 : memref<125x64xf32, #tpu.memory_space<vmem>>) dst(%dma_wait3A_235 : memref<10008x64xf32, #tpu.memory_space<vmem_shared>>)
        } else {
        }
        %add3A_217 = arith.constant 2 : i32
        %add3A_218 = arith.addi %add3A_108, %add3A_217 : i32
        %dma_start3A_219 = arith.constant 0 : i32
        %dma_start3A_220 = tpu.memref_slice %arg6[%add3A_218, %dma_start3A_219] : memref<160x125xi32, #tpu.memory_space<vmem>> -> memref<1x125xi32, #tpu.memory_space<vmem>>
        %dma_start3A_221 = tpu.memref_squeeze %dma_start3A_220 : memref<1x125xi32, #tpu.memory_space<vmem>> -> memref<125xi32, #tpu.memory_space<vmem>>
        %dma_start3A_222 = arith.constant 0 : i32
        %dma_start3A_223 = arith.constant 0 : i32
        %dma_start3A_224 = tpu.memref_slice %arg2[%arg0, %dma_start3A_222, %dma_start3A_223] : memref<2x10000x64xf32, #tpu.memory_space<hbm>> -> memref<1x10000x64xf32, #tpu.memory_space<hbm>>
        %dma_start3A_225 = tpu.memref_squeeze %dma_start3A_224 : memref<1x10000x64xf32, #tpu.memory_space<hbm>> -> memref<10000x64xf32, #tpu.memory_space<hbm>>
        %dma_start3A_226 = arith.constant 0 : i32
        %dma_start3A_227 = arith.constant 0 : i32
        %dma_start3A_228 = tpu.memref_slice %dma_start3A_225[%dma_start3A_226, %dma_start3A_227] : memref<10000x64xf32, #tpu.memory_space<hbm>> -> memref<10000x64xf32, #tpu.memory_space<hbm>>
        tpu.enqueue_indirect_dma source(%dma_start3A_228 : memref<10000x64xf32, #tpu.memory_space<hbm>>) target(%arg10 : memref<125x64xf32, #tpu.memory_space<vmem>>) offsets(%dma_start3A_221 : memref<125xi32, #tpu.memory_space<vmem>>) semaphore(%arg15 : memref<!tpu.dma_semaphore, #tpu.memory_space<semaphore_mem>>)
      } else {
      }
      %mul3A_132 = arith.constant 4 : i32
      %mul3A_133 = arith.muli %mul3A_132, %scan3A_106 : i32
      %add3A_134 = arith.constant 1 : i32
      %add3A_135 = arith.addi %mul3A_133, %add3A_134 : i32
      %dma_wait3A_136 = arith.constant 0 : i32
      %dma_wait3A_137 = tpu.memref_slice %arg6[%add3A_135, %dma_wait3A_136] : memref<160x125xi32, #tpu.memory_space<vmem>> -> memref<1x125xi32, #tpu.memory_space<vmem>>
      %dma_wait3A_138 = tpu.memref_squeeze %dma_wait3A_137 : memref<1x125xi32, #tpu.memory_space<vmem>> -> memref<125xi32, #tpu.memory_space<vmem>>
      %dma_wait3A_139 = arith.constant 0 : i32
      %dma_wait3A_140 = arith.constant 0 : i32
      %dma_wait3A_141 = tpu.memref_slice %arg2[%arg0, %dma_wait3A_139, %dma_wait3A_140] : memref<2x10000x64xf32, #tpu.memory_space<hbm>> -> memref<1x10000x64xf32, #tpu.memory_space<hbm>>
      %dma_wait3A_142 = tpu.memref_squeeze %dma_wait3A_141 : memref<1x10000x64xf32, #tpu.memory_space<hbm>> -> memref<10000x64xf32, #tpu.memory_space<hbm>>
      %dma_wait3A_143 = arith.constant 0 : i32
      %dma_wait3A_144 = arith.constant 0 : i32
      %dma_wait3A_145 = tpu.memref_slice %dma_wait3A_142[%dma_wait3A_143, %dma_wait3A_144] : memref<10000x64xf32, #tpu.memory_space<hbm>> -> memref<10000x64xf32, #tpu.memory_space<hbm>>
      tpu.wait_indirect_dma semaphore(%arg14 : memref<!tpu.dma_semaphore, #tpu.memory_space<semaphore_mem>>) src(%dma_wait3A_145 : memref<10000x64xf32, #tpu.memory_space<hbm>>) dst(%arg9 : memref<125x64xf32, #tpu.memory_space<vmem>>)
      %dma_start3A_146 = arith.constant 0 : i32
      %dma_start3A_147 = tpu.memref_slice %arg7[%add3A_135, %dma_start3A_146] : memref<160x125xi32, #tpu.memory_space<vmem>> -> memref<1x125xi32, #tpu.memory_space<vmem>>
      %dma_start3A_148 = tpu.memref_squeeze %dma_start3A_147 : memref<1x125xi32, #tpu.memory_space<vmem>> -> memref<125xi32, #tpu.memory_space<vmem>>
      %dma_start3A_149 = arith.constant 0 : i32
      %dma_start3A_150 = arith.constant 0 : i32
      %dma_start3A_151 = tpu.memref_slice %arg12[%dma_start3A_149, %dma_start3A_150] : memref<10008x64xf32, #tpu.memory_space<vmem_shared>> -> memref<10008x64xf32, #tpu.memory_space<vmem_shared>>
      tpu.enqueue_indirect_dma source(%arg9 : memref<125x64xf32, #tpu.memory_space<vmem>>) target(%dma_start3A_151 : memref<10008x64xf32, #tpu.memory_space<vmem_shared>>) offsets(%dma_start3A_148 : memref<125xi32, #tpu.memory_space<vmem>>) semaphore(%arg18 : memref<!tpu.dma_semaphore, #tpu.memory_space<semaphore_mem>>) {add = true}
      %add3A_152 = arith.constant 2 : i32
      %add3A_153 = arith.addi %add3A_135, %add3A_152 : i32
      %lt3A_154 = arith.constant 160 : i32
      %lt3A_155 = arith.cmpi slt, %add3A_153, %lt3A_154 : i32
      %convert_element_type3A_156 = arith.extui %lt3A_155 : i1 to i32
      %cond3A_157 = arith.constant 0 : i32
      %cond3A_158 = arith.cmpi ne, %convert_element_type3A_156, %cond3A_157 : i32
      scf.if %cond3A_158 {
        %ge3A = arith.constant 2 : i32
        %ge3A_213 = arith.cmpi sge, %add3A_135, %ge3A : i32
        %convert_element_type3A_214 = arith.extui %ge3A_213 : i1 to i32
        %cond3A_215 = arith.constant 0 : i32
        %cond3A_216 = arith.cmpi ne, %convert_element_type3A_214, %cond3A_215 : i32
        scf.if %cond3A_216 {
          %sub3A = arith.constant 2 : i32
          %sub3A_229 = arith.subi %add3A_135, %sub3A : i32
          %dma_wait3A_230 = arith.constant 0 : i32
          %dma_wait3A_231 = tpu.memref_slice %arg7[%sub3A_229, %dma_wait3A_230] : memref<160x125xi32, #tpu.memory_space<vmem>> -> memref<1x125xi32, #tpu.memory_space<vmem>>
          %dma_wait3A_232 = tpu.memref_squeeze %dma_wait3A_231 : memref<1x125xi32, #tpu.memory_space<vmem>> -> memref<125xi32, #tpu.memory_space<vmem>>
          %dma_wait3A_233 = arith.constant 0 : i32
          %dma_wait3A_234 = arith.constant 0 : i32
          %dma_wait3A_235 = tpu.memref_slice %arg12[%dma_wait3A_233, %dma_wait3A_234] : memref<10008x64xf32, #tpu.memory_space<vmem_shared>> -> memref<10008x64xf32, #tpu.memory_space<vmem_shared>>
          tpu.wait_indirect_dma semaphore(%arg20 : memref<!tpu.dma_semaphore, #tpu.memory_space<semaphore_mem>>) src(%arg11 : memref<125x64xf32, #tpu.memory_space<vmem>>) dst(%dma_wait3A_235 : memref<10008x64xf32, #tpu.memory_space<vmem_shared>>)
        } else {
        }
        %add3A_217 = arith.constant 2 : i32
        %add3A_218 = arith.addi %add3A_135, %add3A_217 : i32
        %dma_start3A_219 = arith.constant 0 : i32
        %dma_start3A_220 = tpu.memref_slice %arg6[%add3A_218, %dma_start3A_219] : memref<160x125xi32, #tpu.memory_space<vmem>> -> memref<1x125xi32, #tpu.memory_space<vmem>>
        %dma_start3A_221 = tpu.memref_squeeze %dma_start3A_220 : memref<1x125xi32, #tpu.memory_space<vmem>> -> memref<125xi32, #tpu.memory_space<vmem>>
        %dma_start3A_222 = arith.constant 0 : i32
        %dma_start3A_223 = arith.constant 0 : i32
        %dma_start3A_224 = tpu.memref_slice %arg2[%arg0, %dma_start3A_222, %dma_start3A_223] : memref<2x10000x64xf32, #tpu.memory_space<hbm>> -> memref<1x10000x64xf32, #tpu.memory_space<hbm>>
        %dma_start3A_225 = tpu.memref_squeeze %dma_start3A_224 : memref<1x10000x64xf32, #tpu.memory_space<hbm>> -> memref<10000x64xf32, #tpu.memory_space<hbm>>
        %dma_start3A_226 = arith.constant 0 : i32
        %dma_start3A_227 = arith.constant 0 : i32
        %dma_start3A_228 = tpu.memref_slice %dma_start3A_225[%dma_start3A_226, %dma_start3A_227] : memref<10000x64xf32, #tpu.memory_space<hbm>> -> memref<10000x64xf32, #tpu.memory_space<hbm>>
        tpu.enqueue_indirect_dma source(%dma_start3A_228 : memref<10000x64xf32, #tpu.memory_space<hbm>>) target(%arg11 : memref<125x64xf32, #tpu.memory_space<vmem>>) offsets(%dma_start3A_221 : memref<125xi32, #tpu.memory_space<vmem>>) semaphore(%arg16 : memref<!tpu.dma_semaphore, #tpu.memory_space<semaphore_mem>>)
      } else {
      }
      %mul3A_159 = arith.constant 4 : i32
      %mul3A_160 = arith.muli %mul3A_159, %scan3A_106 : i32
      %add3A_161 = arith.constant 2 : i32
      %add3A_162 = arith.addi %mul3A_160, %add3A_161 : i32
      %dma_wait3A_163 = arith.constant 0 : i32
      %dma_wait3A_164 = tpu.memref_slice %arg6[%add3A_162, %dma_wait3A_163] : memref<160x125xi32, #tpu.memory_space<vmem>> -> memref<1x125xi32, #tpu.memory_space<vmem>>
      %dma_wait3A_165 = tpu.memref_squeeze %dma_wait3A_164 : memref<1x125xi32, #tpu.memory_space<vmem>> -> memref<125xi32, #tpu.memory_space<vmem>>
      %dma_wait3A_166 = arith.constant 0 : i32
      %dma_wait3A_167 = arith.constant 0 : i32
      %dma_wait3A_168 = tpu.memref_slice %arg2[%arg0, %dma_wait3A_166, %dma_wait3A_167] : memref<2x10000x64xf32, #tpu.memory_space<hbm>> -> memref<1x10000x64xf32, #tpu.memory_space<hbm>>
      %dma_wait3A_169 = tpu.memref_squeeze %dma_wait3A_168 : memref<1x10000x64xf32, #tpu.memory_space<hbm>> -> memref<10000x64xf32, #tpu.memory_space<hbm>>
      %dma_wait3A_170 = arith.constant 0 : i32
      %dma_wait3A_171 = arith.constant 0 : i32
      %dma_wait3A_172 = tpu.memref_slice %dma_wait3A_169[%dma_wait3A_170, %dma_wait3A_171] : memref<10000x64xf32, #tpu.memory_space<hbm>> -> memref<10000x64xf32, #tpu.memory_space<hbm>>
      tpu.wait_indirect_dma semaphore(%arg15 : memref<!tpu.dma_semaphore, #tpu.memory_space<semaphore_mem>>) src(%dma_wait3A_172 : memref<10000x64xf32, #tpu.memory_space<hbm>>) dst(%arg10 : memref<125x64xf32, #tpu.memory_space<vmem>>)
      %dma_start3A_173 = arith.constant 0 : i32
      %dma_start3A_174 = tpu.memref_slice %arg7[%add3A_162, %dma_start3A_173] : memref<160x125xi32, #tpu.memory_space<vmem>> -> memref<1x125xi32, #tpu.memory_space<vmem>>
      %dma_start3A_175 = tpu.memref_squeeze %dma_start3A_174 : memref<1x125xi32, #tpu.memory_space<vmem>> -> memref<125xi32, #tpu.memory_space<vmem>>
      %dma_start3A_176 = arith.constant 0 : i32
      %dma_start3A_177 = arith.constant 0 : i32
      %dma_start3A_178 = tpu.memref_slice %arg12[%dma_start3A_176, %dma_start3A_177] : memref<10008x64xf32, #tpu.memory_space<vmem_shared>> -> memref<10008x64xf32, #tpu.memory_space<vmem_shared>>
      tpu.enqueue_indirect_dma source(%arg10 : memref<125x64xf32, #tpu.memory_space<vmem>>) target(%dma_start3A_178 : memref<10008x64xf32, #tpu.memory_space<vmem_shared>>) offsets(%dma_start3A_175 : memref<125xi32, #tpu.memory_space<vmem>>) semaphore(%arg19 : memref<!tpu.dma_semaphore, #tpu.memory_space<semaphore_mem>>) {add = true}
      %add3A_179 = arith.constant 2 : i32
      %add3A_180 = arith.addi %add3A_162, %add3A_179 : i32
      %lt3A_181 = arith.constant 160 : i32
      %lt3A_182 = arith.cmpi slt, %add3A_180, %lt3A_181 : i32
      %convert_element_type3A_183 = arith.extui %lt3A_182 : i1 to i32
      %cond3A_184 = arith.constant 0 : i32
      %cond3A_185 = arith.cmpi ne, %convert_element_type3A_183, %cond3A_184 : i32
      scf.if %cond3A_185 {
        %ge3A = arith.constant 2 : i32
        %ge3A_213 = arith.cmpi sge, %add3A_162, %ge3A : i32
        %convert_element_type3A_214 = arith.extui %ge3A_213 : i1 to i32
        %cond3A_215 = arith.constant 0 : i32
        %cond3A_216 = arith.cmpi ne, %convert_element_type3A_214, %cond3A_215 : i32
        scf.if %cond3A_216 {
          %sub3A = arith.constant 2 : i32
          %sub3A_229 = arith.subi %add3A_162, %sub3A : i32
          %dma_wait3A_230 = arith.constant 0 : i32
          %dma_wait3A_231 = tpu.memref_slice %arg7[%sub3A_229, %dma_wait3A_230] : memref<160x125xi32, #tpu.memory_space<vmem>> -> memref<1x125xi32, #tpu.memory_space<vmem>>
          %dma_wait3A_232 = tpu.memref_squeeze %dma_wait3A_231 : memref<1x125xi32, #tpu.memory_space<vmem>> -> memref<125xi32, #tpu.memory_space<vmem>>
          %dma_wait3A_233 = arith.constant 0 : i32
          %dma_wait3A_234 = arith.constant 0 : i32
          %dma_wait3A_235 = tpu.memref_slice %arg12[%dma_wait3A_233, %dma_wait3A_234] : memref<10008x64xf32, #tpu.memory_space<vmem_shared>> -> memref<10008x64xf32, #tpu.memory_space<vmem_shared>>
          tpu.wait_indirect_dma semaphore(%arg17 : memref<!tpu.dma_semaphore, #tpu.memory_space<semaphore_mem>>) src(%arg8 : memref<125x64xf32, #tpu.memory_space<vmem>>) dst(%dma_wait3A_235 : memref<10008x64xf32, #tpu.memory_space<vmem_shared>>)
        } else {
        }
        %add3A_217 = arith.constant 2 : i32
        %add3A_218 = arith.addi %add3A_162, %add3A_217 : i32
        %dma_start3A_219 = arith.constant 0 : i32
        %dma_start3A_220 = tpu.memref_slice %arg6[%add3A_218, %dma_start3A_219] : memref<160x125xi32, #tpu.memory_space<vmem>> -> memref<1x125xi32, #tpu.memory_space<vmem>>
        %dma_start3A_221 = tpu.memref_squeeze %dma_start3A_220 : memref<1x125xi32, #tpu.memory_space<vmem>> -> memref<125xi32, #tpu.memory_space<vmem>>
        %dma_start3A_222 = arith.constant 0 : i32
        %dma_start3A_223 = arith.constant 0 : i32
        %dma_start3A_224 = tpu.memref_slice %arg2[%arg0, %dma_start3A_222, %dma_start3A_223] : memref<2x10000x64xf32, #tpu.memory_space<hbm>> -> memref<1x10000x64xf32, #tpu.memory_space<hbm>>
        %dma_start3A_225 = tpu.memref_squeeze %dma_start3A_224 : memref<1x10000x64xf32, #tpu.memory_space<hbm>> -> memref<10000x64xf32, #tpu.memory_space<hbm>>
        %dma_start3A_226 = arith.constant 0 : i32
        %dma_start3A_227 = arith.constant 0 : i32
        %dma_start3A_228 = tpu.memref_slice %dma_start3A_225[%dma_start3A_226, %dma_start3A_227] : memref<10000x64xf32, #tpu.memory_space<hbm>> -> memref<10000x64xf32, #tpu.memory_space<hbm>>
        tpu.enqueue_indirect_dma source(%dma_start3A_228 : memref<10000x64xf32, #tpu.memory_space<hbm>>) target(%arg8 : memref<125x64xf32, #tpu.memory_space<vmem>>) offsets(%dma_start3A_221 : memref<125xi32, #tpu.memory_space<vmem>>) semaphore(%arg13 : memref<!tpu.dma_semaphore, #tpu.memory_space<semaphore_mem>>)
      } else {
      }
      %mul3A_186 = arith.constant 4 : i32
      %mul3A_187 = arith.muli %mul3A_186, %scan3A_106 : i32
      %add3A_188 = arith.constant 3 : i32
      %add3A_189 = arith.addi %mul3A_187, %add3A_188 : i32
      %dma_wait3A_190 = arith.constant 0 : i32
      %dma_wait3A_191 = tpu.memref_slice %arg6[%add3A_189, %dma_wait3A_190] : memref<160x125xi32, #tpu.memory_space<vmem>> -> memref<1x125xi32, #tpu.memory_space<vmem>>
      %dma_wait3A_192 = tpu.memref_squeeze %dma_wait3A_191 : memref<1x125xi32, #tpu.memory_space<vmem>> -> memref<125xi32, #tpu.memory_space<vmem>>
      %dma_wait3A_193 = arith.constant 0 : i32
      %dma_wait3A_194 = arith.constant 0 : i32
      %dma_wait3A_195 = tpu.memref_slice %arg2[%arg0, %dma_wait3A_193, %dma_wait3A_194] : memref<2x10000x64xf32, #tpu.memory_space<hbm>> -> memref<1x10000x64xf32, #tpu.memory_space<hbm>>
      %dma_wait3A_196 = tpu.memref_squeeze %dma_wait3A_195 : memref<1x10000x64xf32, #tpu.memory_space<hbm>> -> memref<10000x64xf32, #tpu.memory_space<hbm>>
      %dma_wait3A_197 = arith.constant 0 : i32
      %dma_wait3A_198 = arith.constant 0 : i32
      %dma_wait3A_199 = tpu.memref_slice %dma_wait3A_196[%dma_wait3A_197, %dma_wait3A_198] : memref<10000x64xf32, #tpu.memory_space<hbm>> -> memref<10000x64xf32, #tpu.memory_space<hbm>>
      tpu.wait_indirect_dma semaphore(%arg16 : memref<!tpu.dma_semaphore, #tpu.memory_space<semaphore_mem>>) src(%dma_wait3A_199 : memref<10000x64xf32, #tpu.memory_space<hbm>>) dst(%arg11 : memref<125x64xf32, #tpu.memory_space<vmem>>)
      %dma_start3A_200 = arith.constant 0 : i32
      %dma_start3A_201 = tpu.memref_slice %arg7[%add3A_189, %dma_start3A_200] : memref<160x125xi32, #tpu.memory_space<vmem>> -> memref<1x125xi32, #tpu.memory_space<vmem>>
      %dma_start3A_202 = tpu.memref_squeeze %dma_start3A_201 : memref<1x125xi32, #tpu.memory_space<vmem>> -> memref<125xi32, #tpu.memory_space<vmem>>
      %dma_start3A_203 = arith.constant 0 : i32
      %dma_start3A_204 = arith.constant 0 : i32
      %dma_start3A_205 = tpu.memref_slice %arg12[%dma_start3A_203, %dma_start3A_204] : memref<10008x64xf32, #tpu.memory_space<vmem_shared>> -> memref<10008x64xf32, #tpu.memory_space<vmem_shared>>
      tpu.enqueue_indirect_dma source(%arg11 : memref<125x64xf32, #tpu.memory_space<vmem>>) target(%dma_start3A_205 : memref<10008x64xf32, #tpu.memory_space<vmem_shared>>) offsets(%dma_start3A_202 : memref<125xi32, #tpu.memory_space<vmem>>) semaphore(%arg20 : memref<!tpu.dma_semaphore, #tpu.memory_space<semaphore_mem>>) {add = true}
      %add3A_206 = arith.constant 2 : i32
      %add3A_207 = arith.addi %add3A_189, %add3A_206 : i32
      %lt3A_208 = arith.constant 160 : i32
      %lt3A_209 = arith.cmpi slt, %add3A_207, %lt3A_208 : i32
      %convert_element_type3A_210 = arith.extui %lt3A_209 : i1 to i32
      %cond3A_211 = arith.constant 0 : i32
      %cond3A_212 = arith.cmpi ne, %convert_element_type3A_210, %cond3A_211 : i32
      scf.if %cond3A_212 {
        %ge3A = arith.constant 2 : i32
        %ge3A_213 = arith.cmpi sge, %add3A_189, %ge3A : i32
        %convert_element_type3A_214 = arith.extui %ge3A_213 : i1 to i32
        %cond3A_215 = arith.constant 0 : i32
        %cond3A_216 = arith.cmpi ne, %convert_element_type3A_214, %cond3A_215 : i32
        scf.if %cond3A_216 {
          %sub3A = arith.constant 2 : i32
          %sub3A_229 = arith.subi %add3A_189, %sub3A : i32
          %dma_wait3A_230 = arith.constant 0 : i32
          %dma_wait3A_231 = tpu.memref_slice %arg7[%sub3A_229, %dma_wait3A_230] : memref<160x125xi32, #tpu.memory_space<vmem>> -> memref<1x125xi32, #tpu.memory_space<vmem>>
          %dma_wait3A_232 = tpu.memref_squeeze %dma_wait3A_231 : memref<1x125xi32, #tpu.memory_space<vmem>> -> memref<125xi32, #tpu.memory_space<vmem>>
          %dma_wait3A_233 = arith.constant 0 : i32
          %dma_wait3A_234 = arith.constant 0 : i32
          %dma_wait3A_235 = tpu.memref_slice %arg12[%dma_wait3A_233, %dma_wait3A_234] : memref<10008x64xf32, #tpu.memory_space<vmem_shared>> -> memref<10008x64xf32, #tpu.memory_space<vmem_shared>>
          tpu.wait_indirect_dma semaphore(%arg18 : memref<!tpu.dma_semaphore, #tpu.memory_space<semaphore_mem>>) src(%arg9 : memref<125x64xf32, #tpu.memory_space<vmem>>) dst(%dma_wait3A_235 : memref<10008x64xf32, #tpu.memory_space<vmem_shared>>)
        } else {
        }
        %add3A_217 = arith.constant 2 : i32
        %add3A_218 = arith.addi %add3A_189, %add3A_217 : i32
        %dma_start3A_219 = arith.constant 0 : i32
        %dma_start3A_220 = tpu.memref_slice %arg6[%add3A_218, %dma_start3A_219] : memref<160x125xi32, #tpu.memory_space<vmem>> -> memref<1x125xi32, #tpu.memory_space<vmem>>
        %dma_start3A_221 = tpu.memref_squeeze %dma_start3A_220 : memref<1x125xi32, #tpu.memory_space<vmem>> -> memref<125xi32, #tpu.memory_space<vmem>>
        %dma_start3A_222 = arith.constant 0 : i32
        %dma_start3A_223 = arith.constant 0 : i32
        %dma_start3A_224 = tpu.memref_slice %arg2[%arg0, %dma_start3A_222, %dma_start3A_223] : memref<2x10000x64xf32, #tpu.memory_space<hbm>> -> memref<1x10000x64xf32, #tpu.memory_space<hbm>>
        %dma_start3A_225 = tpu.memref_squeeze %dma_start3A_224 : memref<1x10000x64xf32, #tpu.memory_space<hbm>> -> memref<10000x64xf32, #tpu.memory_space<hbm>>
        %dma_start3A_226 = arith.constant 0 : i32
        %dma_start3A_227 = arith.constant 0 : i32
        %dma_start3A_228 = tpu.memref_slice %dma_start3A_225[%dma_start3A_226, %dma_start3A_227] : memref<10000x64xf32, #tpu.memory_space<hbm>> -> memref<10000x64xf32, #tpu.memory_space<hbm>>
        tpu.enqueue_indirect_dma source(%dma_start3A_228 : memref<10000x64xf32, #tpu.memory_space<hbm>>) target(%arg9 : memref<125x64xf32, #tpu.memory_space<vmem>>) offsets(%dma_start3A_221 : memref<125xi32, #tpu.memory_space<vmem>>) semaphore(%arg14 : memref<!tpu.dma_semaphore, #tpu.memory_space<semaphore_mem>>)
      } else {
      }
    }
    %scan3A_66 = arith.constant 40 : i32
    %dma_wait3A_67 = arith.constant 156 : i32
    %dma_wait3A_68 = arith.constant 0 : i32
    %dma_wait3A_69 = tpu.memref_slice %arg7[%dma_wait3A_67, %dma_wait3A_68] : memref<160x125xi32, #tpu.memory_space<vmem>> -> memref<1x125xi32, #tpu.memory_space<vmem>>
    %dma_wait3A_70 = tpu.memref_squeeze %dma_wait3A_69 : memref<1x125xi32, #tpu.memory_space<vmem>> -> memref<125xi32, #tpu.memory_space<vmem>>
    %dma_wait3A_71 = arith.constant 0 : i32
    %dma_wait3A_72 = arith.constant 0 : i32
    %dma_wait3A_73 = tpu.memref_slice %arg12[%dma_wait3A_71, %dma_wait3A_72] : memref<10008x64xf32, #tpu.memory_space<vmem_shared>> -> memref<10008x64xf32, #tpu.memory_space<vmem_shared>>
    tpu.wait_indirect_dma semaphore(%arg17 : memref<!tpu.dma_semaphore, #tpu.memory_space<semaphore_mem>>) src(%arg8 : memref<125x64xf32, #tpu.memory_space<vmem>>) dst(%dma_wait3A_73 : memref<10008x64xf32, #tpu.memory_space<vmem_shared>>)
    %dma_wait3A_74 = arith.constant 157 : i32
    %dma_wait3A_75 = arith.constant 0 : i32
    %dma_wait3A_76 = tpu.memref_slice %arg7[%dma_wait3A_74, %dma_wait3A_75] : memref<160x125xi32, #tpu.memory_space<vmem>> -> memref<1x125xi32, #tpu.memory_space<vmem>>
    %dma_wait3A_77 = tpu.memref_squeeze %dma_wait3A_76 : memref<1x125xi32, #tpu.memory_space<vmem>> -> memref<125xi32, #tpu.memory_space<vmem>>
    %dma_wait3A_78 = arith.constant 0 : i32
    %dma_wait3A_79 = arith.constant 0 : i32
    %dma_wait3A_80 = tpu.memref_slice %arg12[%dma_wait3A_78, %dma_wait3A_79] : memref<10008x64xf32, #tpu.memory_space<vmem_shared>> -> memref<10008x64xf32, #tpu.memory_space<vmem_shared>>
    tpu.wait_indirect_dma semaphore(%arg18 : memref<!tpu.dma_semaphore, #tpu.memory_space<semaphore_mem>>) src(%arg9 : memref<125x64xf32, #tpu.memory_space<vmem>>) dst(%dma_wait3A_80 : memref<10008x64xf32, #tpu.memory_space<vmem_shared>>)
    %dma_wait3A_81 = arith.constant 158 : i32
    %dma_wait3A_82 = arith.constant 0 : i32
    %dma_wait3A_83 = tpu.memref_slice %arg7[%dma_wait3A_81, %dma_wait3A_82] : memref<160x125xi32, #tpu.memory_space<vmem>> -> memref<1x125xi32, #tpu.memory_space<vmem>>
    %dma_wait3A_84 = tpu.memref_squeeze %dma_wait3A_83 : memref<1x125xi32, #tpu.memory_space<vmem>> -> memref<125xi32, #tpu.memory_space<vmem>>
    %dma_wait3A_85 = arith.constant 0 : i32
    %dma_wait3A_86 = arith.constant 0 : i32
    %dma_wait3A_87 = tpu.memref_slice %arg12[%dma_wait3A_85, %dma_wait3A_86] : memref<10008x64xf32, #tpu.memory_space<vmem_shared>> -> memref<10008x64xf32, #tpu.memory_space<vmem_shared>>
    tpu.wait_indirect_dma semaphore(%arg19 : memref<!tpu.dma_semaphore, #tpu.memory_space<semaphore_mem>>) src(%arg10 : memref<125x64xf32, #tpu.memory_space<vmem>>) dst(%dma_wait3A_87 : memref<10008x64xf32, #tpu.memory_space<vmem_shared>>)
    %dma_wait3A_88 = arith.constant 159 : i32
    %dma_wait3A_89 = arith.constant 0 : i32
    %dma_wait3A_90 = tpu.memref_slice %arg7[%dma_wait3A_88, %dma_wait3A_89] : memref<160x125xi32, #tpu.memory_space<vmem>> -> memref<1x125xi32, #tpu.memory_space<vmem>>
    %dma_wait3A_91 = tpu.memref_squeeze %dma_wait3A_90 : memref<1x125xi32, #tpu.memory_space<vmem>> -> memref<125xi32, #tpu.memory_space<vmem>>
    %dma_wait3A_92 = arith.constant 0 : i32
    %dma_wait3A_93 = arith.constant 0 : i32
    %dma_wait3A_94 = tpu.memref_slice %arg12[%dma_wait3A_92, %dma_wait3A_93] : memref<10008x64xf32, #tpu.memory_space<vmem_shared>> -> memref<10008x64xf32, #tpu.memory_space<vmem_shared>>
    tpu.wait_indirect_dma semaphore(%arg20 : memref<!tpu.dma_semaphore, #tpu.memory_space<semaphore_mem>>) src(%arg11 : memref<125x64xf32, #tpu.memory_space<vmem>>) dst(%dma_wait3A_94 : memref<10008x64xf32, #tpu.memory_space<vmem_shared>>)
    %barrier3A_95 = arith.constant 0 : index
    tpu.barrier barrier_id(%barrier3A_95)
    %lt3A_96 = arith.constant 15 : i32
    %lt3A_97 = arith.cmpi slt, %arg1, %lt3A_96 : i32
    %convert_element_type3A_98 = arith.extui %lt3A_97 : i1 to i32
    %cond3A_99 = arith.constant 0 : i32
    %cond3A_100 = arith.cmpi ne, %convert_element_type3A_98, %cond3A_99 : i32
    scf.if %cond3A_100 {
      %mul3A = arith.constant 624 : i32
      %mul3A_106 = arith.muli %arg1, %mul3A : i32
      %mul3A_107 = arith.constant 624 : i32
      %mul3A_108 = arith.muli %arg1, %mul3A_107 : i32
      %mul3A_109 = arith.constant 64 : i32
      %mul3A_110 = arith.muli %arg0, %mul3A_109 : i32
      "tpu.region"() ({
        %run_scoped3A = tpu.sem_alloc : memref<!tpu.dma_semaphore, #tpu.memory_space<semaphore_mem>>
        %dma_start3A_111 = tpu.memref_slice %arg5[%mul3A_108, %mul3A_110] : memref<10000x128xf32, #tpu.memory_space<hbm>> -> memref<624x64xf32, #tpu.memory_space<hbm>>
        %dma_start3A_112 = arith.constant 0 : i32
        %dma_start3A_113 = tpu.memref_slice %arg12[%mul3A_106, %dma_start3A_112] : memref<10008x64xf32, #tpu.memory_space<vmem_shared>> -> memref<624x64xf32, #tpu.memory_space<vmem_shared>>
        tpu.enqueue_dma source(%dma_start3A_113 : memref<624x64xf32, #tpu.memory_space<vmem_shared>>) target(%dma_start3A_111 : memref<624x64xf32, #tpu.memory_space<hbm>>) target_semaphore(%run_scoped3A : memref<!tpu.dma_semaphore, #tpu.memory_space<semaphore_mem>>)
        %dma_wait3A_114 = tpu.memref_slice %arg5[%mul3A_108, %mul3A_110] : memref<10000x128xf32, #tpu.memory_space<hbm>> -> memref<624x64xf32, #tpu.memory_space<hbm>>
        %dma_wait3A_115 = arith.constant 0 : i32
        %dma_wait3A_116 = tpu.memref_slice %arg12[%mul3A_106, %dma_wait3A_115] : memref<10008x64xf32, #tpu.memory_space<vmem_shared>> -> memref<624x64xf32, #tpu.memory_space<vmem_shared>>
        tpu.wait_dma2 semaphore(%run_scoped3A : memref<!tpu.dma_semaphore, #tpu.memory_space<semaphore_mem>>) src(%dma_wait3A_116 : memref<624x64xf32, #tpu.memory_space<vmem_shared>>) dst(%dma_wait3A_114 : memref<624x64xf32, #tpu.memory_space<hbm>>)
        tpu.yield
      }) : () -> ()
    } else {
    }
    %eq3A_101 = arith.constant 15 : i32
    %eq3A_102 = arith.cmpi eq, %arg1, %eq3A_101 : i32
    %convert_element_type3A_103 = arith.extui %eq3A_102 : i1 to i32
    %cond3A_104 = arith.constant 0 : i32
    %cond3A_105 = arith.cmpi ne, %convert_element_type3A_103, %cond3A_104 : i32
    scf.if %cond3A_105 {
      %mul3A = arith.constant 624 : i32
      %mul3A_106 = arith.muli %arg1, %mul3A : i32
      %mul3A_107 = arith.constant 624 : i32
      %mul3A_108 = arith.muli %arg1, %mul3A_107 : i32
      %mul3A_109 = arith.constant 64 : i32
      %mul3A_110 = arith.muli %arg0, %mul3A_109 : i32
      "tpu.region"() ({
        %run_scoped3A = tpu.sem_alloc : memref<!tpu.dma_semaphore, #tpu.memory_space<semaphore_mem>>
        %dma_start3A_111 = tpu.memref_slice %arg5[%mul3A_108, %mul3A_110] : memref<10000x128xf32, #tpu.memory_space<hbm>> -> memref<640x64xf32, #tpu.memory_space<hbm>>
        %dma_start3A_112 = arith.constant 0 : i32
        %dma_start3A_113 = tpu.memref_slice %arg12[%mul3A_106, %dma_start3A_112] : memref<10008x64xf32, #tpu.memory_space<vmem_shared>> -> memref<640x64xf32, #tpu.memory_space<vmem_shared>>
        tpu.enqueue_dma source(%dma_start3A_113 : memref<640x64xf32, #tpu.memory_space<vmem_shared>>) target(%dma_start3A_111 : memref<640x64xf32, #tpu.memory_space<hbm>>) target_semaphore(%run_scoped3A : memref<!tpu.dma_semaphore, #tpu.memory_space<semaphore_mem>>)
        %dma_wait3A_114 = tpu.memref_slice %arg5[%mul3A_108, %mul3A_110] : memref<10000x128xf32, #tpu.memory_space<hbm>> -> memref<640x64xf32, #tpu.memory_space<hbm>>
        %dma_wait3A_115 = arith.constant 0 : i32
        %dma_wait3A_116 = tpu.memref_slice %arg12[%mul3A_106, %dma_wait3A_115] : memref<10008x64xf32, #tpu.memory_space<vmem_shared>> -> memref<640x64xf32, #tpu.memory_space<vmem_shared>>
        tpu.wait_dma2 semaphore(%run_scoped3A : memref<!tpu.dma_semaphore, #tpu.memory_space<semaphore_mem>>) src(%dma_wait3A_116 : memref<640x64xf32, #tpu.memory_space<vmem_shared>>) dst(%dma_wait3A_114 : memref<640x64xf32, #tpu.memory_space<hbm>>)
        tpu.yield
      }) : () -> ()
    } else {
    }
    return
  }
}

module attributes {stable_mosaic.version = 14 : i64} {
  func.func @_mlp1_body(%arg0: i32, %arg1: memref<2000x128xf32, #tpu.memory_space<vmem>>, %arg2: memref<2000x128xf32, #tpu.memory_space<vmem>>, %arg3: memref<128x128xf32, #tpu.memory_space<vmem>>, %arg4: memref<1x128xf32, #tpu.memory_space<vmem>>, %arg5: memref<2x2000x64xf32, #tpu.memory_space<vmem>>) attributes {dimension_semantics = [#tpu.dimension_semantics<arbitrary>], iteration_bounds = array<i64: 5>, scalar_prefetch = 0 : i64, scratch_operands = 0 : i64, tpu.core_type = #tpu.core_type<tc>, window_params = [{transform_indices = @transform_0, window_bounds = array<i64: 2000, 128>}, {transform_indices = @transform_1, window_bounds = array<i64: 2000, 128>}, {pipeline_mode = #tpu.pipeline_mode<synchronous>, transform_indices = @transform_2, window_bounds = array<i64: 128, 128>}, {pipeline_mode = #tpu.pipeline_mode<synchronous>, transform_indices = @transform_3, window_bounds = array<i64: 1, 128>}, {transform_indices = @transform_4, window_bounds = array<i64: 2, 2000, 64>}]} {
    %get3A = arith.constant 0 : index
    %get3A_0 = arith.constant 0 : index
    %get3A_1 = vector.load %arg1[%get3A, %get3A_0] : memref<2000x128xf32, #tpu.memory_space<vmem>>, vector<2000x128xf32>
    %get3A_2 = arith.constant 0 : index
    %get3A_3 = arith.constant 0 : index
    %get3A_4 = vector.load %arg2[%get3A_2, %get3A_3] : memref<2000x128xf32, #tpu.memory_space<vmem>>, vector<2000x128xf32>
    %add3A = arith.addf %get3A_1, %get3A_4 : vector<2000x128xf32>
    %get3A_5 = arith.constant 0 : index
    %get3A_6 = arith.constant 0 : index
    %get3A_7 = vector.load %arg3[%get3A_5, %get3A_6] : memref<128x128xf32, #tpu.memory_space<vmem>>, vector<128x128xf32>
    %dot_general3A = arith.constant dense<0.000000e+00> : vector<2000x128xf32>
    %dot_general3A_8 = tpu.matmul %add3A, %get3A_7, %dot_general3A {dimension_numbers = #tpu.dot_dimension_numbers<[1], [1], [0], [0], [0, 0, 1, 0], [], []>, precision = #tpu.contract_precision<fp32>, transpose_lhs_hint = false} : vector<2000x128xf32>, vector<128x128xf32>, vector<2000x128xf32> -> vector<2000x128xf32>
    %get3A_9 = arith.constant 0 : index
    %get3A_10 = arith.constant 0 : index
    %get3A_11 = vector.load %arg4[%get3A_9, %get3A_10] : memref<1x128xf32, #tpu.memory_space<vmem>>, vector<1x128xf32>
    %add3A_12 = vector.broadcast %get3A_11 : vector<1x128xf32> to vector<2000x128xf32>
    %add3A_13 = arith.addf %dot_general3A_8, %add3A_12 : vector<2000x128xf32>
    %max3A = arith.constant 0.000000e+00 : f32
    %max3A_14 = vector.broadcast %max3A : f32 to vector<2000x128xf32>
    %max3A_15 = arith.maximumf %add3A_13, %max3A_14 : vector<2000x128xf32>
    %slice3A = vector.extract_strided_slice %max3A_15 {offsets = [0, 0], sizes = [2000, 64], strides = [1, 1]} : vector<2000x128xf32> to vector<2000x64xf32>
    %swap3A = arith.constant 0 : index
    %swap3A_16 = arith.constant 0 : index
    %swap3A_17 = arith.constant 0 : index
    %swap3A_18 = vector.load %arg5[%swap3A, %swap3A_16, %swap3A_17] : memref<2x2000x64xf32, #tpu.memory_space<vmem>>, vector<1x2000x64xf32>
    %swap3A_19 = vector.shape_cast %swap3A_18 : vector<1x2000x64xf32> to vector<2000x64xf32>
    %swap3A_20 = vector.shape_cast %slice3A : vector<2000x64xf32> to vector<1x2000x64xf32>
    tpu.vector_store %arg5[%swap3A, %swap3A_16, %swap3A_17], %swap3A_20 {strides = array<i32>} : memref<2x2000x64xf32, #tpu.memory_space<vmem>>, vector<1x2000x64xf32>,
    %slice3A_21 = vector.extract_strided_slice %max3A_15 {offsets = [0, 64], sizes = [2000, 64], strides = [1, 1]} : vector<2000x128xf32> to vector<2000x64xf32>
    %swap3A_22 = arith.constant 1 : index
    %swap3A_23 = arith.constant 0 : index
    %swap3A_24 = arith.constant 0 : index
    %swap3A_25 = vector.load %arg5[%swap3A_22, %swap3A_23, %swap3A_24] : memref<2x2000x64xf32, #tpu.memory_space<vmem>>, vector<1x2000x64xf32>
    %swap3A_26 = vector.shape_cast %swap3A_25 : vector<1x2000x64xf32> to vector<2000x64xf32>
    %swap3A_27 = vector.shape_cast %slice3A_21 : vector<2000x64xf32> to vector<1x2000x64xf32>
    tpu.vector_store %arg5[%swap3A_22, %swap3A_23, %swap3A_24], %swap3A_27 {strides = array<i32>} : memref<2x2000x64xf32, #tpu.memory_space<vmem>>, vector<1x2000x64xf32>,
    return
  }
  func.func @transform_0(%arg0: i32) -> (i32, i32) {
    %c0_i32 = arith.constant 0 : i32
    %c0_i32_0 = arith.constant 0 : i32
    return %arg0, %c0_i32 : i32, i32
  }
  func.func @transform_1(%arg0: i32) -> (i32, i32) {
    %c0_i32 = arith.constant 0 : i32
    %c0_i32_0 = arith.constant 0 : i32
    return %arg0, %c0_i32 : i32, i32
  }
  func.func @transform_2(%arg0: i32) -> (i32, i32) {
    %c0_i32 = arith.constant 0 : i32
    %c0_i32_0 = arith.constant 0 : i32
    %c0_i32_1 = arith.constant 0 : i32
    return %c0_i32, %c0_i32_0 : i32, i32
  }
  func.func @transform_3(%arg0: i32) -> (i32, i32) {
    %c0_i32 = arith.constant 0 : i32
    %c0_i32_0 = arith.constant 0 : i32
    %c0_i32_1 = arith.constant 0 : i32
    return %c0_i32, %c0_i32_0 : i32, i32
  }
  func.func @transform_4(%arg0: i32) -> (i32, i32, i32) {
    %c0_i32 = arith.constant 0 : i32
    %c0_i32_0 = arith.constant 0 : i32
    %c0_i32_1 = arith.constant 0 : i32
    return %c0_i32, %arg0, %c0_i32_0 : i32, i32, i32
  }
}

module attributes {stable_mosaic.version = 14 : i64} {
  func.func @_mlp2_body(%arg0: i32, %arg1: memref<2x2000x64xf32, #tpu.memory_space<vmem>>, %arg2: memref<2000x128xf32, #tpu.memory_space<vmem>>, %arg3: memref<128x128xf32, #tpu.memory_space<vmem>>, %arg4: memref<1x128xf32, #tpu.memory_space<vmem>>, %arg5: memref<2000x128xf32, #tpu.memory_space<vmem>>) attributes {dimension_semantics = [#tpu.dimension_semantics<arbitrary>], iteration_bounds = array<i64: 5>, scalar_prefetch = 0 : i64, scratch_operands = 0 : i64, tpu.core_type = #tpu.core_type<tc>, window_params = [{transform_indices = @transform_0, window_bounds = array<i64: 2, 2000, 64>}, {transform_indices = @transform_1, window_bounds = array<i64: 2000, 128>}, {pipeline_mode = #tpu.pipeline_mode<synchronous>, transform_indices = @transform_2, window_bounds = array<i64: 128, 128>}, {pipeline_mode = #tpu.pipeline_mode<synchronous>, transform_indices = @transform_3, window_bounds = array<i64: 1, 128>}, {transform_indices = @transform_4, window_bounds = array<i64: 2000, 128>}]} {
    %get3A = arith.constant 0 : index
    %get3A_0 = arith.constant 0 : index
    %get3A_1 = arith.constant 0 : index
    %get3A_2 = vector.load %arg1[%get3A, %get3A_0, %get3A_1] : memref<2x2000x64xf32, #tpu.memory_space<vmem>>, vector<1x2000x64xf32>
    %get3A_3 = vector.shape_cast %get3A_2 : vector<1x2000x64xf32> to vector<2000x64xf32>
    %get3A_4 = arith.constant 1 : index
    %get3A_5 = arith.constant 0 : index
    %get3A_6 = arith.constant 0 : index
    %get3A_7 = vector.load %arg1[%get3A_4, %get3A_5, %get3A_6] : memref<2x2000x64xf32, #tpu.memory_space<vmem>>, vector<1x2000x64xf32>
    %get3A_8 = vector.shape_cast %get3A_7 : vector<1x2000x64xf32> to vector<2000x64xf32>
    %concatenate3A = tpu.concatenate %get3A_3, %get3A_8 in 1 : vector<2000x64xf32>, vector<2000x64xf32> -> vector<2000x128xf32>
    %get3A_9 = arith.constant 0 : index
    %get3A_10 = arith.constant 0 : index
    %get3A_11 = vector.load %arg2[%get3A_9, %get3A_10] : memref<2000x128xf32, #tpu.memory_space<vmem>>, vector<2000x128xf32>
    %add3A = arith.addf %concatenate3A, %get3A_11 : vector<2000x128xf32>
    %get3A_12 = arith.constant 0 : index
    %get3A_13 = arith.constant 0 : index
    %get3A_14 = vector.load %arg3[%get3A_12, %get3A_13] : memref<128x128xf32, #tpu.memory_space<vmem>>, vector<128x128xf32>
    %dot_general3A = arith.constant dense<0.000000e+00> : vector<2000x128xf32>
    %dot_general3A_15 = tpu.matmul %add3A, %get3A_14, %dot_general3A {dimension_numbers = #tpu.dot_dimension_numbers<[1], [1], [0], [0], [0, 0, 1, 0], [], []>, precision = #tpu.contract_precision<fp32>, transpose_lhs_hint = false} : vector<2000x128xf32>, vector<128x128xf32>, vector<2000x128xf32> -> vector<2000x128xf32>
    %get3A_16 = arith.constant 0 : index
    %get3A_17 = arith.constant 0 : index
    %get3A_18 = vector.load %arg4[%get3A_16, %get3A_17] : memref<1x128xf32, #tpu.memory_space<vmem>>, vector<1x128xf32>
    %add3A_19 = vector.broadcast %get3A_18 : vector<1x128xf32> to vector<2000x128xf32>
    %add3A_20 = arith.addf %dot_general3A_15, %add3A_19 : vector<2000x128xf32>
    %reduce_max3A = arith.constant dense<0xFF800000> : vector<2000xf32>
    %reduce_max3A_21 = vector.multi_reduction <maximumf>, %add3A_20, %reduce_max3A [1] : vector<2000x128xf32> to vector<2000xf32>
    %broadcast_in_dim3A = vector.shape_cast %reduce_max3A_21 : vector<2000xf32> to vector<2000x1xf32>
    %sub3A = vector.broadcast %broadcast_in_dim3A : vector<2000x1xf32> to vector<2000x128xf32>
    %sub3A_22 = arith.subf %add3A_20, %sub3A : vector<2000x128xf32>
    %exp3A = math.exp %sub3A_22 : vector<2000x128xf32>
    %reduce_sum3A = arith.constant dense<0.000000e+00> : vector<2000xf32>
    %reduce_sum3A_23 = vector.multi_reduction <add>, %exp3A, %reduce_sum3A [1] : vector<2000x128xf32> to vector<2000xf32>
    %broadcast_in_dim3A_24 = vector.shape_cast %reduce_sum3A_23 : vector<2000xf32> to vector<2000x1xf32>
    %log3A = math.log %broadcast_in_dim3A_24 : vector<2000x1xf32>
    %add3A_25 = arith.addf %broadcast_in_dim3A, %log3A : vector<2000x1xf32>
    %sub3A_26 = vector.broadcast %add3A_25 : vector<2000x1xf32> to vector<2000x128xf32>
    %sub3A_27 = arith.subf %add3A_20, %sub3A_26 : vector<2000x128xf32>
    %swap3A = arith.constant 0 : index
    %swap3A_28 = arith.constant 0 : index
    %swap3A_29 = vector.load %arg5[%swap3A, %swap3A_28] : memref<2000x128xf32, #tpu.memory_space<vmem>>, vector<2000x128xf32>
    tpu.vector_store %arg5[%swap3A, %swap3A_28], %sub3A_27 {strides = array<i32>} : memref<2000x128xf32, #tpu.memory_space<vmem>>, vector<2000x128xf32>,
    return
  }
  func.func @transform_0(%arg0: i32) -> (i32, i32, i32) {
    %c0_i32 = arith.constant 0 : i32
    %c0_i32_0 = arith.constant 0 : i32
    %c0_i32_1 = arith.constant 0 : i32
    return %c0_i32, %arg0, %c0_i32_0 : i32, i32, i32
  }
  func.func @transform_1(%arg0: i32) -> (i32, i32) {
    %c0_i32 = arith.constant 0 : i32
    %c0_i32_0 = arith.constant 0 : i32
    return %arg0, %c0_i32 : i32, i32
  }
  func.func @transform_2(%arg0: i32) -> (i32, i32) {
    %c0_i32 = arith.constant 0 : i32
    %c0_i32_0 = arith.constant 0 : i32
    %c0_i32_1 = arith.constant 0 : i32
    return %c0_i32, %c0_i32_0 : i32, i32
  }
  func.func @transform_3(%arg0: i32) -> (i32, i32) {
    %c0_i32 = arith.constant 0 : i32
    %c0_i32_0 = arith.constant 0 : i32
    %c0_i32_1 = arith.constant 0 : i32
    return %c0_i32, %c0_i32_0 : i32, i32
  }
  func.func @transform_4(%arg0: i32) -> (i32, i32) {
    %c0_i32 = arith.constant 0 : i32
    %c0_i32_0 = arith.constant 0 : i32
    return %arg0, %c0_i32 : i32, i32
  }
}

</mosaic_0001>

<sc_bundles>
// kernel: kernel.6.cloned.1.call-start
scs
__scs_entry_jumppad:
0x0: {  	(pc) =	sbr.rel $0x88, $3  }
0x1: {  	(tag) =	ssettag $0x0;
	lr =	simm.s32 $0x1  }
0x2: {  	[smem:$0x3F9B] =	sst lr;
	_ =	strace $0xD0000000  }
0x3: {  	_ = 	snop  }
0x4: {  	_ = 	snop  }
0x5: {  	_ = 	snop  }
0x6: {  	_ = 	snop  }
0x7: {  	_ = 	snop  }
__scs_overlays_trampoline_lowered:
0x8: {  	[smem:$0x3FAA] =	sst s0  }
0x9: {  	[smem:$0x3FAB] =	sst s1  }
0xa: {  	[smem:$0x3FAC] =	sst s2  }
0xb: {  	[smem:$0x3FAD] =	sst s3  }
0xc: {  	[smem:$0x3FAE] =	sst s4  }
0xd: {  	[smem:$0x3FAF] =	sst s5  }
0xe: {  	[smem:$0x3FB0] =	sst s6  }
0xf: {  	[smem:$0x3FB1] =	sst s7  }
0x10: {  	[smem:$0x3FB2] =	sst s8  }
0x11: {  	[smem:$0x3FB3] =	sst s9;
	s0 =	simm.s32 @!p0 $0x0  }
0x12: {  	s1 =	sld [smem:$0x3F99];
	s0 =	simm.s32 @p0 $0x1  }
0x13: {  	[smem:$0x3FB4] =	sst s0;
	s0 =	simm.s32 @!p1 $0x0  }
0x14: {  	s2 =	sld [smem:$0x3F98];
	s0 =	simm.s32 @p1 $0x1  }
0x15: {  	[smem:$0x3FB5] =	sst s0;
	s0 =	simm.s32 @!p2 $0x0  }
0x16: {  	s3 =	sld [smem:$0x3FDB];
	s0 =	simm.s32 @p2 $0x1  }
0x17: {  	s4 =	simm.s32 $0x1BF5;
	[smem:$0x3FB7] =	sst s0  }
0x18: {  	s0 =	sld [smem:$0x3F9A];
	_ =	swait.ge [sflag:s4], $0x0  }
0x19: {  	s7 =	sld [smem:$0x3F9B]  }
0x1a: {  	s8 =	sadd.s32 $0xFFFFE003, lr  }
0x1b: {  	s9 =	sadd.s32 $0xFFFFFEF7, lr;
	s5 =	simm.s32 $0xFFFFFFFF;
	p2 =	slt.u32 s8, $0xFFFFF086  }
0x1c: {  	p1 =	slt.u32 s9, $0xF7A;
	s5 =	simm.s32 @!p2 $0x0  }
0x1d: {  	s5 =	simm.s32 @p1 $0x1;
	p0 =	seq.s32 s7, s2  }
0x1e: {  	s7 =	smul.u32 @!p0 $0xF7A, s2;
	p2 =	seq.s32 @!p0 s5, $0x0  }
0x1f: {  	s9 =	smul.u32 $0xF7A, s1;
	s8 =	simm.s32 @!p0 $0x1BF5;
	p2 =	por !p2, p0  }
0x20: {  	[sflag:s8] =	ssyncset.s32 @!p0 $0xFFFFF086;
	s6 =	sadd.s32 @!p0 s3, s7;
	s7 =	simm.s32 @!p0 $0x108  }
0x21: {  	s3 =	sadd.s32 s3, s9;
	s6 =	sadd.s32 @!p0 $0x88, s6;
	s7 =	simm.s32 @p2 $0x1082  }
0x22: {  	[simem:s7], [sflag:s8] =	dma.local @!p0 [hbm:s6], $0xF7A  }
0x23: {  	s9 =	sor.u32 $0xD0000000, s2;
	s6 =	simm.s32 $0x108;
	_ =	swait.ge @!p0 [sflag:s8], $0x0  }
0x24: {  	s3 =	sadd.s32 $0x88, s3;
	s6 =	simm.s32 @!p1 $0x1082;
	[sflag:s4] =	ssyncset.s32 $0xFFFFF086  }
0x25: {  	[simem:s6], [sflag:s4] =	dma.local [hbm:s3], $0xF7A  }
0x26: {  	[smem:$0x3F9B] =	sst s1;
	(tag) =	ssettag s2;
	_ =	strace s9  }
0x27: {  	s1 =	sld [smem:$0x3FAB]  }
0x28: {  	s2 =	sld [smem:$0x3FAC]  }
0x29: {  	s4 =	sld [smem:$0x3FAE]  }
0x2a: {  	p0 =	seq.s32 s5, $0x0;
	s5 =	sld [smem:$0x3FAF]  }
0x2b: {  	s6 =	sld [smem:$0x3FB0]  }
0x2c: {  	s7 =	sld [smem:$0x3FB1]  }
0x2d: {  	s3 =	simm.s32 $0x108;
	s8 =	sld [smem:$0x3FB2]  }
0x2e: {  	s3 =	simm.s32 @!p0 $0x1082;
	s9 =	sld [smem:$0x3FB3]  }
0x2f: {  	lr =	sadd.s32 s0, s3;
	s0 =	sld [smem:$0x3FAA]  }
0x30: {  	s3 =	sld [smem:$0x3FAD]  }
0x31: {  	[smem:$0x3FB6] =	sst s10  }
0x32: {  	s10 =	sld [smem:$0x3FB4];
	_ =	sdelay $0x3  }
0x33: {  	p0 =	seq.s32 s10, $0x1;
	s10 =	sld [smem:$0x3FB6];
	_ =	sdelay $0x3  }
0x34: {  	[smem:$0x3FB6] =	sst s10  }
0x35: {  	s10 =	sld [smem:$0x3FB5];
	_ =	sdelay $0x3  }
0x36: {  	p1 =	seq.s32 s10, $0x1;
	s10 =	sld [smem:$0x3FB6];
	_ =	sdelay $0x3  }
0x37: {  	[smem:$0x3FB6] =	sst s10  }
0x38: {  	s10 =	sld [smem:$0x3FB7]  }
0x39: {  	_ = 	snop;
	(pc) =	sbr.ind lr, $3  }
0x3a: {  	_ = 	snop  }
0x3b: {  	_ = 	snop  }
0x3c: {  	p2 =	seq.s32 s10, $0x1;
	s10 =	sld [smem:$0x3FB6]  }
0x3d: {  	_ =	shalt  }
0x3e: {  	_ =	shalt  }
0x3f: {  	_ =	shalt  }
0x40: {  	_ =	shalt  }
0x41: {  	_ =	shalt  }
0x42: {  	_ =	shalt  }
0x43: {  	_ =	shalt  }
0x44: {  	_ =	shalt  }
0x45: {  	_ =	shalt  }
0x46: {  	_ =	shalt  }
0x47: {  	_ =	shalt  }
0x48: {  	_ =	shalt  }
0x49: {  	_ =	shalt  }
0x4a: {  	_ =	shalt  }
0x4b: {  	_ =	shalt  }
0x4c: {  	_ =	shalt  }
0x4d: {  	_ =	shalt  }
0x4e: {  	_ =	shalt  }
0x4f: {  	_ =	shalt  }
0x50: {  	_ =	shalt  }
0x51: {  	_ =	shalt  }
0x52: {  	_ =	shalt  }
0x53: {  	_ =	shalt  }
0x54: {  	_ =	shalt  }
0x55: {  	_ =	shalt  }
0x56: {  	_ =	shalt  }
0x57: {  	_ =	shalt  }
0x58: {  	_ =	shalt  }
0x59: {  	_ =	shalt  }
0x5a: {  	_ =	shalt  }
0x5b: {  	_ =	shalt  }
0x5c: {  	_ =	shalt  }
0x5d: {  	_ =	shalt  }
0x5e: {  	_ =	shalt  }
0x5f: {  	_ =	shalt  }
0x60: {  	_ =	shalt  }
0x61: {  	_ =	shalt  }
0x62: {  	_ =	shalt  }
0x63: {  	_ =	shalt  }
0x64: {  	_ =	shalt  }
0x65: {  	_ =	shalt  }
0x66: {  	_ =	shalt  }
0x67: {  	_ =	shalt  }
0x68: {  	_ =	shalt  }
0x69: {  	_ =	shalt  }
0x6a: {  	_ =	shalt  }
0x6b: {  	_ =	shalt  }
0x6c: {  	_ =	shalt  }
0x6d: {  	_ =	shalt  }
0x6e: {  	_ =	shalt  }
0x6f: {  	_ =	shalt  }
0x70: {  	_ =	shalt  }
0x71: {  	_ =	shalt  }
0x72: {  	_ =	shalt  }
0x73: {  	_ =	shalt  }
0x74: {  	_ =	shalt  }
0x75: {  	_ =	shalt  }
0x76: {  	_ =	shalt  }
0x77: {  	_ =	shalt  }
0x78: {  	_ =	shalt  }
0x79: {  	_ =	shalt  }
0x7a: {  	_ =	shalt  }
0x7b: {  	_ =	shalt  }
0x7c: {  	_ =	shalt  }
0x7d: {  	_ =	shalt  }
0x7e: {  	_ =	shalt  }
0x7f: {  	_ =	shalt  }
0x80: {  	_ =	shalt  }
0x81: {  	_ =	shalt  }
0x82: {  	_ =	shalt  }
0x83: {  	_ =	shalt  }
0x84: {  	_ =	shalt  }
0x85: {  	_ =	shalt  }
0x86: {  	_ =	shalt  }
0x87: {  	_ =	shalt  }
.Lfunc_end0:
.L_simem_size_0:
called_computation_lowered:
.L_overlay_start_0:
0x88: {  	s2 =	sld [smem:$0x3FD9]  }
0x89: {  	s3 =	sld [smem:$0x3FFE];
	_ =	sdelay $0x1  }
0x8a: {  	s1 =	srdreg.scid  }
0x8b: {  	s0 =	sand.u32 $0x1, s1  }
0x8c: {  	s17 =	sshll.u32 s0, $0xA;
	s2 =	sadd.s32 s3, s2  }
0x8d: {  	s2 =	sadd.s32 s2, s17  }
0x8e: {  	[smem:$0x3FC2] =	sst s2  }
0x8f: {  	_ = 	snop  }
0x90: {  	s2 =	sld [smem:$0x3FD0];
	(tm) =	ssettm $0x1  }
0x91: {  	s18 =	sld [smem:$0x3FFB];
	_ =	sdelay $0x3  }
0x92: {  	_ =	strace s18  }
0x93: {  	s3 =	sld [smem:$0x3FFC];
	_ =	sdelay $0x3  }
0x94: {  	_ =	strace s3  }
0x95: {  	s3 =	sld [smem:$0x3FFD];
	_ =	sdelay $0x3  }
0x96: {  	_ =	strace s3  }
0x97: {  	_ =	strace $0x8FFFFFFF  }
0x98: {  	s19 =	sld [smem:$0x3FDB];
	_ =	sdelay $0x1  }
0x99: {  	s4 =	simm.s32 $_scs_section_size  }
0x9a: {  	s5 =	simm.s32 $_size__tile_overlayer_lowered;
	s6 =	simm.s32 $_tile_overlayer_lowered  }
0x9b: {  	s22 =	simm.s32 $0x1BFF;
	s21 =	sshll.u32 s6, $0x1;
	s3 =	sadd.s32 s4, s19  }
0x9c: {  	s7 =	simm.s32 $0x0;
	s20 =	sshll.u32 s5, $0x1;
	s5 =	sadd.s32 s21, s3  }
0x9d: {  	[timem:s7], [sflag:s22] =	dma.local [hbm:s5], s20  }
0x9e: {  	_ =	swait.ge [sflag:s22], s20  }
0x9f: {  	s4 =	ssub.s32 $0x0, s20;
	[sflag:s22] =	ssyncset.done $0x0  }
0xa0: {  	[sflag:s22] =	ssyncadd.s32 s4;
	_ =	sdelay $0x1  }
0xa1: {  	s23 =	simm.s32 $0x1B8B  }
0xa2: {  	_ =	swait.ge [sflag:s23], $0x1  }
0xa3: {  	[sflag:s23] =	ssyncset.done $0x0  }
0xa4: {  	s25 =	simm.s32 $0x1B8E;
	s24 =	sld [smem:$0x3FFE];
	[sflag:s23] =	ssyncadd.s32 $0xFFFFFFFF  }
0xa5: {  	s26 =	simm.s32 $execute0_lowered;
	[smem:$0x3FD2] =	sst s25  }
0xa6: {  	s5 =	sshll.u32 s26, $0x1;
	_ =	strace $0x80000046;
	[dreg:$0x1] =	wrdreg $0xFFFFFFFF  }
0xa7: {  	s28 =	simm.s32 $_size_execute0_lowered;
	s3 =	sadd.s32 s3, s5;
	[dreg:$0x0] =	wrdreg $0x0  }
0xa8: {  	s5 =	sshll.u32 s28, $0x1;
	[dreg:$0x2] =	wrdreg s3  }
0xa9: {  	[dreg:$0x3] =	wrdreg s5  }
0xaa: {  	[dreg:$0x4] =	wrdreg $0xC0  }
0xab: {  	_ =	task [dreg:s7], $0x5FFFF  }
0xac: {  	[dreg:$0x1] =	wrdreg $0xFFFFFFFF  }
0xad: {  	[dreg:$0x0] =	wrdreg $0x60  }
0xae: {  	[dreg:$0x2] =	wrdreg s2  }
0xaf: {  	[dreg:$0x3] =	wrdreg s24  }
0xb0: {  	[dreg:$0x4] =	wrdreg $0x11D000  }
0xb1: {  	[dreg:$0x5] =	wrdreg $0x9  }
0xb2: {  	_ =	task.clear_ibuf [dreg:s7], $0x6FFFF;
	_ =	strace $0x90000046  }
0xb3: {  	s29 =	simm.s32 $0x9;
	_ =	strace $0x80000048  }
0xb4: {  	_ =	swait.ge [sflag:s29], $0x1  }
0xb5: {  	[sflag:s29] =	ssyncadd.s32 $0xFFFFFFFF  }
0xb6: {  	_ =	strace $0x90000048  }
0xb7: {  	_ =	sfence  }
0xb8: {  	s30 =	sld [smem:$0x0];
	_ =	sdelay $0x2  }
0xb9: {  	s31 =	sshll.u32 s1, $0xD;
	s1 =	sshrl.u32 s1, $0x2  }
0xba: {  	s3 =	sand.u32 $0x4000, s31;
	s1 =	sadd.s32 s1, s30  }
0xbb: {  	s0 =	sor.u32 s3, s0;
	s1 =	sshll.u32 s1, $0x11  }
0xbc: {  	s0 =	sor.u32 s1, s0  }
0xbd: {  	s0 =	sadd.s32 $0x8F2B, s0  }
0xbe: {  	[sflag:s0] =	ssyncadd.remote.s32 $0x1  }
0xbf: {  	_ =	sfence.sel $0xFFFF  }
0xc0: {  	[dreg:$0x0] =	wrdreg $0xFFFFFFFF;
	(pc) =	sbr.abs _section_cstart, $3  }
0xc1: {  	[dreg:$0x1] =	wrdreg $0xFFFFFFFF  }
0xc2: {  	_ =	task.clear_ibuf [dreg:s7], $0x2FFFF;
	_ =	strace $0x9FFFFFFF  }
0xc3: {  	(tm) =	ssettm $0x7FFFFFFF  }
tec
execute0_lowered:
.L_overlay_start_1:
0x0: {  	(tag) =	ssettag $0x1  }
0x1: {  	s0 =	rddreg [dreg:$0x0]  }
0x2: {  	s1 =	rddreg [dreg:$0x1]  }
0x3: {  	s2 =	rddreg [dreg:$0x2]  }
0x4: {  	s15 =	stileid.u32;
	s3 =	simm.s32 $0x0;
	s5 =	srdreg.scid  }
0x5: {  	s16 =	simm.s32 $0x7D;
	s17 =	simm.s32 $0xA000;
	s19 =	simm.s32 $0xBF40  }
0x6: {  	s20 =	simm.s32 $0x1;
	s22 =	simm.s32 $0xDE80;
	s28 =	simm.s32 $0x3  }
0x7: {  	s30 =	simm.s32 $0x5;
	s18 =	simm.s32 $0x6;
	s4 =	smul.u32 $0x5000, s15  }
0x8: {  	s29 =	simm.s32 $0x0;
	[smem:$0x7FF] =	sst s3;
	s23 =	smul.u32 $0x27000, s15  }
0x9: {  	s8 =	sand.u32 $0x1, s5;
	s9 =	smul.u32 $0x13800, s15;
	s13 =	sadd.s32 $0x92400, s2  }
0xa: {  	p0 =	seq.s32 s15, $0xF;
	_ =	strace $0x80000047;
	s5 =	ssub.s32 $0x2, s8  }
0xb: {  	s11 =	smul.u32 $0x13880, s8;
	s12 =	sshll.u32 s8, $0x6;
	s26 =	sshll.u32 s8, $0x3  }
0xc: {  	s4 =	sshrl.u32 s4, $0x3;
	s7 =	sshrl.u32 s5, $0x1;
	s9 =	sor.u32 s12, s9  }
0xd: {  	s12 =	sshrl.u32 @p0 s13, $0x3;
	s6 =	sadd.s32 s4, s1;
	s4 =	sadd.s32 $0x15800, s1  }
0xe: {  	s1 =	sadd.s32 $0x16C00, s1;
	s10 =	ssub.s32 s5, s7;
	s7 =	sshrl.u32 s23, $0x2  }
0xf: {  	s25 =	sshrl.u32 s9, $0x3;
	s23 =	simm.s32 $0x2;
	s24 =	sadd.s32 $0x1800, s6  }
0x10: {  	s6 =	sadd.s32 $0xB800, s6;
	s14 =	sadd.s32 s7, s2;
	s7 =	sadd.s32 s0, s11  }
.Ltmp0:
0x11: {  	s8 =	sadd.s32 s1, s25;
	s31 =	sadd.s32 s26, s1;
	(pc) =	sbr.rel .LBB2_1-.Ltmp0, $4  }
0x12: {  	s10 =	smax.u32 s10, $0x1;
	s0 =	sshll.u32 @!p0 s15, $0x6;
	s11 =	simm.s32 $0x5000  }
0x13: {  	s15 =	simm.s32 $0x9;
	s26 =	simm.s32 $0xFDC0;
	s25 =	simm.s32 $0x8  }
0x14: {  	[dreg:$0x4] =	wrdreg s24;
	s9 =	sadd.s32 $0x24900, s31;
	s13 =	sor.u32 @!p0 $0x1C0A, s0  }
0x15: {  	s14 =	sshrl.u32 @!p0 s14, $0x3;
	s0 =	simm.s32 $0x4;
	s24 =	simm.s32 $0x7  }
.LBB2_4:
0x16: {  	_ =	swait.ge [sflag:s0], $0x1F40  }
0x17: {  	[sflag:s0] =	ssyncset.done $0x0  }
0x18: {  	[sflag:s0] =	ssyncadd.s32 $0xFFFFE0C0  }
0x19: {  	[spmem:s2] =	stream.indirect.scatter.add.f32 [tilespmem:s26], [sflag:$0x8], $0x40, s21, s16, $0xb8;
	[tilespmem:$0x1B960] =	vst v63  }
0x1a: {  	_ =	swait.ge [sflag:s30], $0x1F40  }
0x1b: {  	[sflag:s30] =	ssyncset.done $0x0  }
0x1c: {  	[sflag:s30] =	ssyncadd.s32 $0xFFFFE0C0  }
0x1d: {  	_ =	swait.ge [sflag:s18], $0x1F40  }
0x1e: {  	[sflag:s18] =	ssyncset.done $0x0  }
0x1f: {  	[sflag:s18] =	ssyncadd.s32 $0xFFFFE0C0  }
0x20: {  	_ =	swait.ge [sflag:s24], $0x1F40  }
0x21: {  	[sflag:s24] =	ssyncset.done $0x0  }
0x22: {  	[sflag:s24] =	ssyncadd.s32 $0xFFFFE0C0  }
0x23: {  	_ =	swait.ge [sflag:s25], $0x1F40  }
0x24: {  	[sflag:s25] =	ssyncset.done $0x0  }
0x25: {  	s1 =	simm.s32 @p0 $0x1;
	s5 =	simm.s32 @p0 $0x10;
	[sflag:s25] =	ssyncadd.s32 $0xFFFFE0C0  }
0x26: {  	s31 =	simm.s32 @p0 $0x1FCA;
	s21 =	simm.s32 @p0 $0x8;
	[bflag:$0x0] =	sbarrier.arrive $0xFFFF  }
0x27: {  	[hbm:s9@s5], [sflag:s31] =	dma.strided @p0 [spmem:s12@s21], $0x1400, s1, $0x8   }
0x28: {  	s1 =	simm.s32 @p0 $0xA  }
0x29: {  	s29 =	sadd.s32 $0x1, s29;
	_ =	swait.ge @p0 [sflag:s1], $0x1400  }
0x2a: {  	p1 =	sne.s32 s29, s10;
	s5 =	simm.s32 @!p0 $0x10;
	[sflag:s1] =	ssyncset.done @p0 $0x0  }
0x2b: {  	s21 =	simm.s32 @!p0 $0x8;
	[sflag:s1] =	ssyncadd.s32 @p0 $0xFFFFEC00;
	s1 =	simm.s32 @!p0 $0x1  }
0x2c: {  	[hbm:s8@s5], [sflag:s13] =	dma.strided @!p0 [spmem:s14@s21], $0x1380, s1, $0x8   }
.Ltmp1:
0x2d: {  	_ = 	snop;
	(pc) =	sbr.rel @!p1 .LBB2_5-.Ltmp1, $4  }
0x2e: {  	s1 =	simm.s32 @!p0 $0xA  }
0x2f: {  	_ =	swait.ge @!p0 [sflag:s1], $0x1380  }
0x30: {  	[sflag:s1] =	ssyncset.done @!p0 $0x0  }
0x31: {  	[sflag:s1] =	ssyncadd.s32 @!p0 $0xFFFFEC80  }
.LBB2_1:
0x32: {  	s1 =	rddreg [dreg:$0x4]  }
0x33: {  	[tilespmem:s3], [sflag:$0x9] =	stream.linear.gather [hbm4b:s1+s3], $0x5000, $0x38;
	[tilespmem:$0x1B960] =	vst v63  }
0x34: {  	s1 =	simm.s32 @p0 $0x1FCA  }
0x35: {  	[tilespmem:s11], [sflag:$0x9] =	stream.linear.gather [hbm4b:s6+s3], $0x5000, $0x38;
	[tilespmem:$0x1B960] =	vst v63  }
0x36: {  	[spmem:s12], [sflag:s1] =	dma.local @p0 [hbm:s4], $0x1400  }
0x37: {  	s1 =	simm.s32 @p0 $0xA  }
0x38: {  	_ =	swait.ge @p0 [sflag:s1], $0x1400  }
0x39: {  	[sflag:s1] =	ssyncset.done @p0 $0x0  }
0x3a: {  	[sflag:s1] =	ssyncadd.s32 @p0 $0xFFFFEC00;
	s1 =	simm.s32 @!p0 $0xA  }
0x3b: {  	[spmem:s14], [sflag:s13] =	dma.local @!p0 [hbm:s4], $0x1380  }
0x3c: {  	_ =	swait.ge @!p0 [sflag:s1], $0x1380  }
0x3d: {  	[sflag:s1] =	ssyncset.done @!p0 $0x0  }
0x3e: {  	[sflag:s1] =	ssyncadd.s32 @!p0 $0xFFFFEC80  }
0x3f: {  	_ =	swait.ge [sflag:s15], $0x5000  }
0x40: {  	[sflag:s15] =	ssyncset.done $0x0  }
0x41: {  	[sflag:s15] =	ssyncadd.s32 $0xFFFFB000  }
0x42: {  	_ =	swait.ge [sflag:s15], $0x5000  }
0x43: {  	[sflag:s15] =	ssyncset.done $0x0  }
0x44: {  	[sflag:s15] =	ssyncadd.s32 $0xFFFFB000  }
0x45: {  	[bflag:$0x0] =	sbarrier.arrive $0xFFFF  }
0x46: {  	[tilespmem:s17], [sflag:$0x1] =	stream.indirect.gather [hbm4b:s7+s16], $0x40, s3, s16, $0xb8;
	[tilespmem:$0x1B960] =	vst v63  }
0x47: {  	s5 =	simm.s32 $0x80  }
0x48: {  	[tilespmem:s19], [sflag:$0x2] =	stream.indirect.gather [hbm4b:s7+s16], $0x40, s5, s16, $0xb8;
	[tilespmem:$0x1B960] =	vst v63  }
0x49: {  	_ =	swait.ge [sflag:s20], $0x1F40  }
0x4a: {  	[sflag:s20] =	ssyncset.done $0x0  }
0x4b: {  	[sflag:s20] =	ssyncadd.s32 $0xFFFFE0C0  }
0x4c: {  	[spmem:s2] =	stream.indirect.scatter.add.f32 [tilespmem:s17], [sflag:$0x5], $0x40, s11, s16, $0xb8;
	[tilespmem:$0x1B960] =	vst v63  }
0x4d: {  	s21 =	simm.s32 $0x100  }
0x4e: {  	[tilespmem:s22], [sflag:$0x3] =	stream.indirect.gather [hbm4b:s7+s16], $0x40, s21, s16, $0xb8;
	[tilespmem:$0x1B960] =	vst v63  }
0x4f: {  	_ =	swait.ge [sflag:s23], $0x1F40  }
0x50: {  	[sflag:s23] =	ssyncset.done $0x0  }
0x51: {  	s5 =	simm.s32 $0x5080;
	[sflag:s23] =	ssyncadd.s32 $0xFFFFE0C0  }
0x52: {  	[spmem:s2] =	stream.indirect.scatter.add.f32 [tilespmem:s19], [sflag:$0x6], $0x40, s5, s16, $0xb8;
	[tilespmem:$0x1B960] =	vst v63  }
0x53: {  	s21 =	simm.s32 $0x180  }
0x54: {  	[tilespmem:s26], [sflag:$0x4] =	stream.indirect.gather [hbm4b:s7+s16], $0x40, s21, s16, $0xb8;
	[tilespmem:$0x1B960] =	vst v63  }
0x55: {  	_ =	swait.ge [sflag:s28], $0x1F40  }
0x56: {  	[sflag:s28] =	ssyncset.done $0x0  }
0x57: {  	s5 =	simm.s32 $0x5100;
	[sflag:s28] =	ssyncadd.s32 $0xFFFFE0C0  }
0x58: {  	[spmem:s2] =	stream.indirect.scatter.add.f32 [tilespmem:s22], [sflag:$0x7], $0x40, s5, s16, $0xb8;
	[tilespmem:$0x1B960] =	vst v63  }
0x59: {  	_ =	swait.ge [sflag:s30], $0x1F40  }
0x5a: {  	[sflag:s30] =	ssyncset.done $0x0  }
0x5b: {  	s21 =	simm.s32 $0x200;
	[sflag:s30] =	ssyncadd.s32 $0xFFFFE0C0  }
0x5c: {  	[tilespmem:s17], [sflag:$0x1] =	stream.indirect.gather [hbm4b:s7+s16], $0x40, s21, s16, $0xb8;
	[tilespmem:$0x1B960] =	vst v63  }
0x5d: {  	_ =	swait.ge [sflag:s0], $0x1F40  }
0x5e: {  	[sflag:s0] =	ssyncset.done $0x0  }
0x5f: {  	s5 =	simm.s32 $0x5180;
	[sflag:s0] =	ssyncadd.s32 $0xFFFFE0C0  }
0x60: {  	[spmem:s2] =	stream.indirect.scatter.add.f32 [tilespmem:s26], [sflag:$0x8], $0x40, s5, s16, $0xb8;
	[tilespmem:$0x1B960] =	vst v63  }
0x61: {  	_ =	swait.ge [sflag:s18], $0x1F40  }
0x62: {  	[sflag:s18] =	ssyncset.done $0x0  }
0x63: {  	s31 =	simm.s32 $0x0;
	s21 =	simm.s32 $0x280;
	[sflag:s18] =	ssyncadd.s32 $0xFFFFE0C0  }
0x64: {  	[tilespmem:s19], [sflag:$0x2] =	stream.indirect.gather [hbm4b:s7+s16], $0x40, s21, s16, $0xb8;
	[tilespmem:$0x1B960] =	vst v63  }
.LBB2_2:
0x65: {  	_ =	swait.ge [sflag:s20], $0x1F40  }
0x66: {  	s1 =	sshra.s32 s31, $0x2;
	[sflag:s20] =	ssyncset.done $0x0  }
0x67: {  	s21 =	sadd.s32 $0x5200, s1;
	[sflag:s20] =	ssyncadd.s32 $0xFFFFE0C0  }
0x68: {  	[spmem:s2] =	stream.indirect.scatter.add.f32 [tilespmem:s17], [sflag:$0x5], $0x40, s21, s16, $0xb8;
	[tilespmem:$0x1B960] =	vst v63  }
0x69: {  	_ =	swait.ge [sflag:s24], $0x1F40  }
0x6a: {  	[sflag:s24] =	ssyncset.done $0x0  }
0x6b: {  	s5 =	sadd.s32 $0x300, s1;
	[sflag:s24] =	ssyncadd.s32 $0xFFFFE0C0  }
0x6c: {  	[tilespmem:s22], [sflag:$0x3] =	stream.indirect.gather [hbm4b:s7+s16], $0x40, s5, s16, $0xb8;
	[tilespmem:$0x1B960] =	vst v63  }
0x6d: {  	_ =	swait.ge [sflag:s23], $0x1F40  }
0x6e: {  	[sflag:s23] =	ssyncset.done $0x0  }
0x6f: {  	s5 =	sadd.s32 $0x5280, s1;
	[sflag:s23] =	ssyncadd.s32 $0xFFFFE0C0  }
0x70: {  	[spmem:s2] =	stream.indirect.scatter.add.f32 [tilespmem:s19], [sflag:$0x6], $0x40, s5, s16, $0xb8;
	[tilespmem:$0x1B960] =	vst v63  }
0x71: {  	_ =	swait.ge [sflag:s25], $0x1F40  }
0x72: {  	[sflag:s25] =	ssyncset.done $0x0  }
0x73: {  	p1 =	seq.s32 s31, $0x13000;
	s5 =	sadd.s32 $0x380, s1;
	[sflag:s25] =	ssyncadd.s32 $0xFFFFE0C0  }
0x74: {  	[tilespmem:s26], [sflag:$0x4] =	stream.indirect.gather [hbm4b:s7+s16], $0x40, s5, s16, $0xb8;
	[tilespmem:$0x1B960] =	vst v63  }
.Ltmp2:
0x75: {  	_ = 	snop;
	(pc) =	sbr.rel @p1 .LBB2_4-.Ltmp2, $4  }
0x76: {  	_ =	swait.ge [sflag:s28], $0x1F40  }
0x77: {  	[sflag:s28] =	ssyncset.done $0x0  }
0x78: {  	s21 =	sadd.s32 $0x5380, s1;
	s5 =	sadd.s32 $0x5300, s1;
	[sflag:s28] =	ssyncadd.s32 $0xFFFFE0C0  }
0x79: {  	[spmem:s2] =	stream.indirect.scatter.add.f32 [tilespmem:s22], [sflag:$0x7], $0x40, s5, s16, $0xb8;
	[tilespmem:$0x1B960] =	vst v63  }
0x7a: {  	_ =	swait.ge [sflag:s30], $0x1F40  }
0x7b: {  	[sflag:s30] =	ssyncset.done $0x0  }
0x7c: {  	s5 =	sadd.s32 $0x400, s1;
	[sflag:s30] =	ssyncadd.s32 $0xFFFFE0C0  }
0x7d: {  	[tilespmem:s17], [sflag:$0x1] =	stream.indirect.gather [hbm4b:s7+s16], $0x40, s5, s16, $0xb8;
	[tilespmem:$0x1B960] =	vst v63  }
0x7e: {  	_ =	swait.ge [sflag:s0], $0x1F40  }
0x7f: {  	[sflag:s0] =	ssyncset.done $0x0  }
0x80: {  	[sflag:s0] =	ssyncadd.s32 $0xFFFFE0C0  }
0x81: {  	[spmem:s2] =	stream.indirect.scatter.add.f32 [tilespmem:s26], [sflag:$0x8], $0x40, s21, s16, $0xb8;
	[tilespmem:$0x1B960] =	vst v63  }
.Ltmp3:
0x82: {  	_ = 	snop;
	(pc) =	sbr.rel .LBB2_2-.Ltmp3, $4  }
0x83: {  	_ =	swait.ge [sflag:s18], $0x1F40  }
0x84: {  	[sflag:s18] =	ssyncset.done $0x0  }
0x85: {  	s31 =	sadd.s32 $0x800, s31;
	s21 =	sadd.s32 $0x480, s1;
	[sflag:s18] =	ssyncadd.s32 $0xFFFFE0C0  }
0x86: {  	[tilespmem:s19], [sflag:$0x2] =	stream.indirect.gather [hbm4b:s7+s16], $0x40, s21, s16, $0xb8;
	[tilespmem:$0x1B960] =	vst v63  }
.LBB2_5:
0x87: {  	_ =	sfence.sel $0x180000  }
0x88: {  	[bflag:$0x0] =	sbarrier.arrive $0xFFFF  }
0x89: {  	_ =	strace $0x90000047  }
0x8a: {  	s0 =	stileid.u32;
	[bflag:$0x2] =	sbarrier.arrive $0xFFFF  }
0x8b: {  	p0 =	sne.s32 s0, $0x0;
	s0 =	rddreg [dreg:$0x3]  }
0x8c: {  	s0 =	sadd.s32 @!p0 $0x100000, s0  }
0x8d: {  	[sflag:s0] =	ssyncadd.tile.s32 @!p0 $0x1;
	_ =	shalt  }
.Lfunc_end2:
_tile_overlayer_lowered:
.L_overlay_start_2:
0x8e: {  	(tag) =	ssettag $0x2  }
0x8f: {  	s0 =	rddreg [dreg:$0x0];
	s2 =	stileid.u32  }
0x90: {  	s1 =	rddreg [dreg:$0x1];
	p0 =	sne.s32 s2, $0x0  }
0x91: {  	s3 =	rddreg [dreg:$0x2];
	[bflag:$0x3] =	sbarrier.arrive $0xFFFF;
	s2 =	simm.s32 @!p0 $0x1C0A  }
0x92: {  	[timem:s3], [sflag:s2] =	dma.local @!p0 [hbm:s0], s1  }
0x93: {  	s0 =	simm.s32 @!p0 $0xA  }
0x94: {  	_ =	swait.ge @!p0 [sflag:s0], s1  }
0x95: {  	s1 =	ssub.s32 @!p0 $0x0, s1;
	[sflag:s0] =	ssyncset.done @!p0 $0x0  }
0x96: {  	[sflag:s0] =	ssyncadd.s32 @!p0 s1  }
0x97: {  	[bflag:$0x3] =	sbarrier.arrive $0xFFFF  }
0x98: {  	_ =	shalt  }

// kernel: kernel.9.cloned.1.call-start
scs
__scs_entry_jumppad:
0x0: {  	(pc) =	sbr.rel $0x88, $3  }
0x1: {  	(tag) =	ssettag $0x0;
	lr =	simm.s32 $0x1  }
0x2: {  	[smem:$0x3F9B] =	sst lr;
	_ =	strace $0xD0000000  }
0x3: {  	_ = 	snop  }
0x4: {  	_ = 	snop  }
0x5: {  	_ = 	snop  }
0x6: {  	_ = 	snop  }
0x7: {  	_ = 	snop  }
__scs_overlays_trampoline_lowered:
0x8: {  	[smem:$0x3FAA] =	sst s0  }
0x9: {  	[smem:$0x3FAB] =	sst s1  }
0xa: {  	[smem:$0x3FAC] =	sst s2  }
0xb: {  	[smem:$0x3FAD] =	sst s3  }
0xc: {  	[smem:$0x3FAE] =	sst s4  }
0xd: {  	[smem:$0x3FAF] =	sst s5  }
0xe: {  	[smem:$0x3FB0] =	sst s6  }
0xf: {  	[smem:$0x3FB1] =	sst s7  }
0x10: {  	[smem:$0x3FB2] =	sst s8  }
0x11: {  	[smem:$0x3FB3] =	sst s9;
	s0 =	simm.s32 @!p0 $0x0  }
0x12: {  	s1 =	sld [smem:$0x3F99];
	s0 =	simm.s32 @p0 $0x1  }
0x13: {  	[smem:$0x3FB4] =	sst s0;
	s0 =	simm.s32 @!p1 $0x0  }
0x14: {  	s2 =	sld [smem:$0x3F98];
	s0 =	simm.s32 @p1 $0x1  }
0x15: {  	[smem:$0x3FB5] =	sst s0;
	s0 =	simm.s32 @!p2 $0x0  }
0x16: {  	s3 =	sld [smem:$0x3FDB];
	s0 =	simm.s32 @p2 $0x1  }
0x17: {  	s4 =	simm.s32 $0x1BF5;
	[smem:$0x3FB7] =	sst s0  }
0x18: {  	s0 =	sld [smem:$0x3F9A];
	_ =	swait.ge [sflag:s4], $0x0  }
0x19: {  	s7 =	sld [smem:$0x3F9B]  }
0x1a: {  	s8 =	sadd.s32 $0xFFFFE003, lr  }
0x1b: {  	s9 =	sadd.s32 $0xFFFFFEF7, lr;
	s5 =	simm.s32 $0xFFFFFFFF;
	p2 =	slt.u32 s8, $0xFFFFF086  }
0x1c: {  	p1 =	slt.u32 s9, $0xF7A;
	s5 =	simm.s32 @!p2 $0x0  }
0x1d: {  	s5 =	simm.s32 @p1 $0x1;
	p0 =	seq.s32 s7, s2  }
0x1e: {  	s7 =	smul.u32 @!p0 $0xF7A, s2;
	p2 =	seq.s32 @!p0 s5, $0x0  }
0x1f: {  	s9 =	smul.u32 $0xF7A, s1;
	s8 =	simm.s32 @!p0 $0x1BF5;
	p2 =	por !p2, p0  }
0x20: {  	[sflag:s8] =	ssyncset.s32 @!p0 $0xFFFFF086;
	s6 =	sadd.s32 @!p0 s3, s7;
	s7 =	simm.s32 @!p0 $0x108  }
0x21: {  	s3 =	sadd.s32 s3, s9;
	s6 =	sadd.s32 @!p0 $0x88, s6;
	s7 =	simm.s32 @p2 $0x1082  }
0x22: {  	[simem:s7], [sflag:s8] =	dma.local @!p0 [hbm:s6], $0xF7A  }
0x23: {  	s9 =	sor.u32 $0xD0000000, s2;
	s6 =	simm.s32 $0x108;
	_ =	swait.ge @!p0 [sflag:s8], $0x0  }
0x24: {  	s3 =	sadd.s32 $0x88, s3;
	s6 =	simm.s32 @!p1 $0x1082;
	[sflag:s4] =	ssyncset.s32 $0xFFFFF086  }
0x25: {  	[simem:s6], [sflag:s4] =	dma.local [hbm:s3], $0xF7A  }
0x26: {  	[smem:$0x3F9B] =	sst s1;
	(tag) =	ssettag s2;
	_ =	strace s9  }
0x27: {  	s1 =	sld [smem:$0x3FAB]  }
0x28: {  	s2 =	sld [smem:$0x3FAC]  }
0x29: {  	s4 =	sld [smem:$0x3FAE]  }
0x2a: {  	p0 =	seq.s32 s5, $0x0;
	s5 =	sld [smem:$0x3FAF]  }
0x2b: {  	s6 =	sld [smem:$0x3FB0]  }
0x2c: {  	s7 =	sld [smem:$0x3FB1]  }
0x2d: {  	s3 =	simm.s32 $0x108;
	s8 =	sld [smem:$0x3FB2]  }
0x2e: {  	s3 =	simm.s32 @!p0 $0x1082;
	s9 =	sld [smem:$0x3FB3]  }
0x2f: {  	lr =	sadd.s32 s0, s3;
	s0 =	sld [smem:$0x3FAA]  }
0x30: {  	s3 =	sld [smem:$0x3FAD]  }
0x31: {  	[smem:$0x3FB6] =	sst s10  }
0x32: {  	s10 =	sld [smem:$0x3FB4];
	_ =	sdelay $0x3  }
0x33: {  	p0 =	seq.s32 s10, $0x1;
	s10 =	sld [smem:$0x3FB6];
	_ =	sdelay $0x3  }
0x34: {  	[smem:$0x3FB6] =	sst s10  }
0x35: {  	s10 =	sld [smem:$0x3FB5];
	_ =	sdelay $0x3  }
0x36: {  	p1 =	seq.s32 s10, $0x1;
	s10 =	sld [smem:$0x3FB6];
	_ =	sdelay $0x3  }
0x37: {  	[smem:$0x3FB6] =	sst s10  }
0x38: {  	s10 =	sld [smem:$0x3FB7]  }
0x39: {  	_ = 	snop;
	(pc) =	sbr.ind lr, $3  }
0x3a: {  	_ = 	snop  }
0x3b: {  	_ = 	snop  }
0x3c: {  	p2 =	seq.s32 s10, $0x1;
	s10 =	sld [smem:$0x3FB6]  }
0x3d: {  	_ =	shalt  }
0x3e: {  	_ =	shalt  }
0x3f: {  	_ =	shalt  }
0x40: {  	_ =	shalt  }
0x41: {  	_ =	shalt  }
0x42: {  	_ =	shalt  }
0x43: {  	_ =	shalt  }
0x44: {  	_ =	shalt  }
0x45: {  	_ =	shalt  }
0x46: {  	_ =	shalt  }
0x47: {  	_ =	shalt  }
0x48: {  	_ =	shalt  }
0x49: {  	_ =	shalt  }
0x4a: {  	_ =	shalt  }
0x4b: {  	_ =	shalt  }
0x4c: {  	_ =	shalt  }
0x4d: {  	_ =	shalt  }
0x4e: {  	_ =	shalt  }
0x4f: {  	_ =	shalt  }
0x50: {  	_ =	shalt  }
0x51: {  	_ =	shalt  }
0x52: {  	_ =	shalt  }
0x53: {  	_ =	shalt  }
0x54: {  	_ =	shalt  }
0x55: {  	_ =	shalt  }
0x56: {  	_ =	shalt  }
0x57: {  	_ =	shalt  }
0x58: {  	_ =	shalt  }
0x59: {  	_ =	shalt  }
0x5a: {  	_ =	shalt  }
0x5b: {  	_ =	shalt  }
0x5c: {  	_ =	shalt  }
0x5d: {  	_ =	shalt  }
0x5e: {  	_ =	shalt  }
0x5f: {  	_ =	shalt  }
0x60: {  	_ =	shalt  }
0x61: {  	_ =	shalt  }
0x62: {  	_ =	shalt  }
0x63: {  	_ =	shalt  }
0x64: {  	_ =	shalt  }
0x65: {  	_ =	shalt  }
0x66: {  	_ =	shalt  }
0x67: {  	_ =	shalt  }
0x68: {  	_ =	shalt  }
0x69: {  	_ =	shalt  }
0x6a: {  	_ =	shalt  }
0x6b: {  	_ =	shalt  }
0x6c: {  	_ =	shalt  }
0x6d: {  	_ =	shalt  }
0x6e: {  	_ =	shalt  }
0x6f: {  	_ =	shalt  }
0x70: {  	_ =	shalt  }
0x71: {  	_ =	shalt  }
0x72: {  	_ =	shalt  }
0x73: {  	_ =	shalt  }
0x74: {  	_ =	shalt  }
0x75: {  	_ =	shalt  }
0x76: {  	_ =	shalt  }
0x77: {  	_ =	shalt  }
0x78: {  	_ =	shalt  }
0x79: {  	_ =	shalt  }
0x7a: {  	_ =	shalt  }
0x7b: {  	_ =	shalt  }
0x7c: {  	_ =	shalt  }
0x7d: {  	_ =	shalt  }
0x7e: {  	_ =	shalt  }
0x7f: {  	_ =	shalt  }
0x80: {  	_ =	shalt  }
0x81: {  	_ =	shalt  }
0x82: {  	_ =	shalt  }
0x83: {  	_ =	shalt  }
0x84: {  	_ =	shalt  }
0x85: {  	_ =	shalt  }
0x86: {  	_ =	shalt  }
0x87: {  	_ =	shalt  }
.Lfunc_end0:
.L_simem_size_0:
called_computation.1_lowered:
.L_overlay_start_0:
0x88: {  	s2 =	sld [smem:$0x3FD9]  }
0x89: {  	s3 =	sld [smem:$0x3FFE];
	_ =	sdelay $0x1  }
0x8a: {  	s1 =	srdreg.scid  }
0x8b: {  	s0 =	sand.u32 $0x1, s1  }
0x8c: {  	s17 =	sshll.u32 s0, $0xA;
	s2 =	sadd.s32 s3, s2  }
0x8d: {  	s2 =	sadd.s32 s2, s17  }
0x8e: {  	[smem:$0x3FC2] =	sst s2  }
0x8f: {  	_ = 	snop  }
0x90: {  	s2 =	sld [smem:$0x3FD0];
	(tm) =	ssettm $0x1  }
0x91: {  	s18 =	sld [smem:$0x3FFB];
	_ =	sdelay $0x3  }
0x92: {  	_ =	strace s18  }
0x93: {  	s3 =	sld [smem:$0x3FFC];
	_ =	sdelay $0x3  }
0x94: {  	_ =	strace s3  }
0x95: {  	s3 =	sld [smem:$0x3FFD];
	_ =	sdelay $0x3  }
0x96: {  	_ =	strace s3  }
0x97: {  	_ =	strace $0x8FFFFFFF  }
0x98: {  	s19 =	sld [smem:$0x3FDB];
	_ =	sdelay $0x1  }
0x99: {  	s4 =	simm.s32 $_scs_section_size  }
0x9a: {  	s5 =	simm.s32 $_size__tile_overlayer_lowered;
	s6 =	simm.s32 $_tile_overlayer_lowered  }
0x9b: {  	s22 =	simm.s32 $0x1BFF;
	s21 =	sshll.u32 s6, $0x1;
	s3 =	sadd.s32 s4, s19  }
0x9c: {  	s7 =	simm.s32 $0x0;
	s20 =	sshll.u32 s5, $0x1;
	s5 =	sadd.s32 s21, s3  }
0x9d: {  	[timem:s7], [sflag:s22] =	dma.local [hbm:s5], s20  }
0x9e: {  	_ =	swait.ge [sflag:s22], s20  }
0x9f: {  	s4 =	ssub.s32 $0x0, s20;
	[sflag:s22] =	ssyncset.done $0x0  }
0xa0: {  	[sflag:s22] =	ssyncadd.s32 s4;
	_ =	sdelay $0x1  }
0xa1: {  	s23 =	simm.s32 $0x1B8B  }
0xa2: {  	_ =	swait.ge [sflag:s23], $0x1  }
0xa3: {  	[sflag:s23] =	ssyncset.done $0x0  }
0xa4: {  	s25 =	simm.s32 $0x1B8E;
	s24 =	sld [smem:$0x3FFE];
	[sflag:s23] =	ssyncadd.s32 $0xFFFFFFFF  }
0xa5: {  	s26 =	simm.s32 $execute0_lowered;
	[smem:$0x3FD2] =	sst s25  }
0xa6: {  	s5 =	sshll.u32 s26, $0x1;
	_ =	strace $0x80000049;
	[dreg:$0x1] =	wrdreg $0xFFFFFFFF  }
0xa7: {  	s28 =	simm.s32 $_size_execute0_lowered;
	s3 =	sadd.s32 s3, s5;
	[dreg:$0x0] =	wrdreg $0x0  }
0xa8: {  	s5 =	sshll.u32 s28, $0x1;
	[dreg:$0x2] =	wrdreg s3  }
0xa9: {  	[dreg:$0x3] =	wrdreg s5  }
0xaa: {  	[dreg:$0x4] =	wrdreg $0xC0  }
0xab: {  	_ =	task [dreg:s7], $0x5FFFF  }
0xac: {  	[dreg:$0x1] =	wrdreg $0xFFFFFFFF  }
0xad: {  	[dreg:$0x0] =	wrdreg $0x60  }
0xae: {  	[dreg:$0x2] =	wrdreg s2  }
0xaf: {  	[dreg:$0x3] =	wrdreg s24  }
0xb0: {  	[dreg:$0x4] =	wrdreg $0x11D000  }
0xb1: {  	[dreg:$0x5] =	wrdreg $0x9  }
0xb2: {  	_ =	task.clear_ibuf [dreg:s7], $0x6FFFF;
	_ =	strace $0x90000049  }
0xb3: {  	s29 =	simm.s32 $0x9;
	_ =	strace $0x8000004B  }
0xb4: {  	_ =	swait.ge [sflag:s29], $0x1  }
0xb5: {  	[sflag:s29] =	ssyncadd.s32 $0xFFFFFFFF  }
0xb6: {  	_ =	strace $0x9000004B  }
0xb7: {  	_ =	sfence  }
0xb8: {  	s30 =	sld [smem:$0x0];
	_ =	sdelay $0x2  }
0xb9: {  	s31 =	sshll.u32 s1, $0xD;
	s1 =	sshrl.u32 s1, $0x2  }
0xba: {  	s3 =	sand.u32 $0x4000, s31;
	s1 =	sadd.s32 s1, s30  }
0xbb: {  	s0 =	sor.u32 s3, s0;
	s1 =	sshll.u32 s1, $0x11  }
0xbc: {  	s0 =	sor.u32 s1, s0  }
0xbd: {  	s0 =	sadd.s32 $0x8F2B, s0  }
0xbe: {  	[sflag:s0] =	ssyncadd.remote.s32 $0x1  }
0xbf: {  	_ =	sfence.sel $0xFFFF  }
0xc0: {  	[dreg:$0x0] =	wrdreg $0xFFFFFFFF;
	(pc) =	sbr.abs _section_cstart, $3  }
0xc1: {  	[dreg:$0x1] =	wrdreg $0xFFFFFFFF  }
0xc2: {  	_ =	task.clear_ibuf [dreg:s7], $0x2FFFF;
	_ =	strace $0x9FFFFFFF  }
0xc3: {  	(tm) =	ssettm $0x7FFFFFFF  }
tec
execute0_lowered:
.L_overlay_start_1:
0x0: {  	(tag) =	ssettag $0x1  }
0x1: {  	s0 =	rddreg [dreg:$0x0]  }
0x2: {  	s1 =	rddreg [dreg:$0x1]  }
0x3: {  	s2 =	rddreg [dreg:$0x2]  }
0x4: {  	s15 =	stileid.u32;
	s3 =	simm.s32 $0x0;
	s5 =	srdreg.scid  }
0x5: {  	s16 =	simm.s32 $0x7D;
	s17 =	simm.s32 $0xA000;
	s19 =	simm.s32 $0xBF40  }
0x6: {  	s20 =	simm.s32 $0x1;
	s22 =	simm.s32 $0xDE80;
	s28 =	simm.s32 $0x3  }
0x7: {  	s30 =	simm.s32 $0x5;
	s18 =	simm.s32 $0x6;
	s4 =	smul.u32 $0x5000, s15  }
0x8: {  	s29 =	simm.s32 $0x0;
	[smem:$0x7FF] =	sst s3;
	s23 =	smul.u32 $0x27000, s15  }
0x9: {  	s8 =	sand.u32 $0x1, s5;
	s9 =	smul.u32 $0x13800, s15;
	s13 =	sadd.s32 $0x92400, s2  }
0xa: {  	p0 =	seq.s32 s15, $0xF;
	_ =	strace $0x8000004A;
	s5 =	ssub.s32 $0x2, s8  }
0xb: {  	s11 =	smul.u32 $0x13880, s8;
	s12 =	sshll.u32 s8, $0x6;
	s26 =	sshll.u32 s8, $0x3  }
0xc: {  	s4 =	sshrl.u32 s4, $0x3;
	s7 =	sshrl.u32 s5, $0x1;
	s9 =	sor.u32 s12, s9  }
0xd: {  	s12 =	sshrl.u32 @p0 s13, $0x3;
	s6 =	sadd.s32 s4, s1;
	s4 =	sadd.s32 $0x15800, s1  }
0xe: {  	s1 =	sadd.s32 $0x16C00, s1;
	s10 =	ssub.s32 s5, s7;
	s7 =	sshrl.u32 s23, $0x2  }
0xf: {  	s25 =	sshrl.u32 s9, $0x3;
	s23 =	simm.s32 $0x2;
	s24 =	sadd.s32 $0x1800, s6  }
0x10: {  	s6 =	sadd.s32 $0xB800, s6;
	s14 =	sadd.s32 s7, s2;
	s7 =	sadd.s32 s0, s11  }
.Ltmp0:
0x11: {  	s8 =	sadd.s32 s1, s25;
	s31 =	sadd.s32 s26, s1;
	(pc) =	sbr.rel .LBB2_1-.Ltmp0, $4  }
0x12: {  	s10 =	smax.u32 s10, $0x1;
	s0 =	sshll.u32 @!p0 s15, $0x6;
	s11 =	simm.s32 $0x5000  }
0x13: {  	s15 =	simm.s32 $0x9;
	s26 =	simm.s32 $0xFDC0;
	s25 =	simm.s32 $0x8  }
0x14: {  	[dreg:$0x4] =	wrdreg s24;
	s9 =	sadd.s32 $0x24900, s31;
	s13 =	sor.u32 @!p0 $0x1C0A, s0  }
0x15: {  	s14 =	sshrl.u32 @!p0 s14, $0x3;
	s0 =	simm.s32 $0x4;
	s24 =	simm.s32 $0x7  }
.LBB2_4:
0x16: {  	_ =	swait.ge [sflag:s0], $0x1F40  }
0x17: {  	[sflag:s0] =	ssyncset.done $0x0  }
0x18: {  	[sflag:s0] =	ssyncadd.s32 $0xFFFFE0C0  }
0x19: {  	[spmem:s2] =	stream.indirect.scatter.add.f32 [tilespmem:s26], [sflag:$0x8], $0x40, s21, s16, $0xb8;
	[tilespmem:$0x1B960] =	vst v63  }
0x1a: {  	_ =	swait.ge [sflag:s30], $0x1F40  }
0x1b: {  	[sflag:s30] =	ssyncset.done $0x0  }
0x1c: {  	[sflag:s30] =	ssyncadd.s32 $0xFFFFE0C0  }
0x1d: {  	_ =	swait.ge [sflag:s18], $0x1F40  }
0x1e: {  	[sflag:s18] =	ssyncset.done $0x0  }
0x1f: {  	[sflag:s18] =	ssyncadd.s32 $0xFFFFE0C0  }
0x20: {  	_ =	swait.ge [sflag:s24], $0x1F40  }
0x21: {  	[sflag:s24] =	ssyncset.done $0x0  }
0x22: {  	[sflag:s24] =	ssyncadd.s32 $0xFFFFE0C0  }
0x23: {  	_ =	swait.ge [sflag:s25], $0x1F40  }
0x24: {  	[sflag:s25] =	ssyncset.done $0x0  }
0x25: {  	s1 =	simm.s32 @p0 $0x1;
	s5 =	simm.s32 @p0 $0x10;
	[sflag:s25] =	ssyncadd.s32 $0xFFFFE0C0  }
0x26: {  	s31 =	simm.s32 @p0 $0x1FCA;
	s21 =	simm.s32 @p0 $0x8;
	[bflag:$0x0] =	sbarrier.arrive $0xFFFF  }
0x27: {  	[hbm:s9@s5], [sflag:s31] =	dma.strided @p0 [spmem:s12@s21], $0x1400, s1, $0x8   }
0x28: {  	s1 =	simm.s32 @p0 $0xA  }
0x29: {  	s29 =	sadd.s32 $0x1, s29;
	_ =	swait.ge @p0 [sflag:s1], $0x1400  }
0x2a: {  	p1 =	sne.s32 s29, s10;
	s5 =	simm.s32 @!p0 $0x10;
	[sflag:s1] =	ssyncset.done @p0 $0x0  }
0x2b: {  	s21 =	simm.s32 @!p0 $0x8;
	[sflag:s1] =	ssyncadd.s32 @p0 $0xFFFFEC00;
	s1 =	simm.s32 @!p0 $0x1  }
0x2c: {  	[hbm:s8@s5], [sflag:s13] =	dma.strided @!p0 [spmem:s14@s21], $0x1380, s1, $0x8   }
.Ltmp1:
0x2d: {  	_ = 	snop;
	(pc) =	sbr.rel @!p1 .LBB2_5-.Ltmp1, $4  }
0x2e: {  	s1 =	simm.s32 @!p0 $0xA  }
0x2f: {  	_ =	swait.ge @!p0 [sflag:s1], $0x1380  }
0x30: {  	[sflag:s1] =	ssyncset.done @!p0 $0x0  }
0x31: {  	[sflag:s1] =	ssyncadd.s32 @!p0 $0xFFFFEC80  }
.LBB2_1:
0x32: {  	s1 =	rddreg [dreg:$0x4]  }
0x33: {  	[tilespmem:s3], [sflag:$0x9] =	stream.linear.gather [hbm4b:s1+s3], $0x5000, $0x38;
	[tilespmem:$0x1B960] =	vst v63  }
0x34: {  	s1 =	simm.s32 @p0 $0x1FCA  }
0x35: {  	[tilespmem:s11], [sflag:$0x9] =	stream.linear.gather [hbm4b:s6+s3], $0x5000, $0x38;
	[tilespmem:$0x1B960] =	vst v63  }
0x36: {  	[spmem:s12], [sflag:s1] =	dma.local @p0 [hbm:s4], $0x1400  }
0x37: {  	s1 =	simm.s32 @p0 $0xA  }
0x38: {  	_ =	swait.ge @p0 [sflag:s1], $0x1400  }
0x39: {  	[sflag:s1] =	ssyncset.done @p0 $0x0  }
0x3a: {  	[sflag:s1] =	ssyncadd.s32 @p0 $0xFFFFEC00;
	s1 =	simm.s32 @!p0 $0xA  }
0x3b: {  	[spmem:s14], [sflag:s13] =	dma.local @!p0 [hbm:s4], $0x1380  }
0x3c: {  	_ =	swait.ge @!p0 [sflag:s1], $0x1380  }
0x3d: {  	[sflag:s1] =	ssyncset.done @!p0 $0x0  }
0x3e: {  	[sflag:s1] =	ssyncadd.s32 @!p0 $0xFFFFEC80  }
0x3f: {  	_ =	swait.ge [sflag:s15], $0x5000  }
0x40: {  	[sflag:s15] =	ssyncset.done $0x0  }
0x41: {  	[sflag:s15] =	ssyncadd.s32 $0xFFFFB000  }
0x42: {  	_ =	swait.ge [sflag:s15], $0x5000  }
0x43: {  	[sflag:s15] =	ssyncset.done $0x0  }
0x44: {  	[sflag:s15] =	ssyncadd.s32 $0xFFFFB000  }
0x45: {  	[bflag:$0x0] =	sbarrier.arrive $0xFFFF  }
0x46: {  	[tilespmem:s17], [sflag:$0x1] =	stream.indirect.gather [hbm4b:s7+s16], $0x40, s3, s16, $0xb8;
	[tilespmem:$0x1B960] =	vst v63  }
0x47: {  	s5 =	simm.s32 $0x80  }
0x48: {  	[tilespmem:s19], [sflag:$0x2] =	stream.indirect.gather [hbm4b:s7+s16], $0x40, s5, s16, $0xb8;
	[tilespmem:$0x1B960] =	vst v63  }
0x49: {  	_ =	swait.ge [sflag:s20], $0x1F40  }
0x4a: {  	[sflag:s20] =	ssyncset.done $0x0  }
0x4b: {  	[sflag:s20] =	ssyncadd.s32 $0xFFFFE0C0  }
0x4c: {  	[spmem:s2] =	stream.indirect.scatter.add.f32 [tilespmem:s17], [sflag:$0x5], $0x40, s11, s16, $0xb8;
	[tilespmem:$0x1B960] =	vst v63  }
0x4d: {  	s21 =	simm.s32 $0x100  }
0x4e: {  	[tilespmem:s22], [sflag:$0x3] =	stream.indirect.gather [hbm4b:s7+s16], $0x40, s21, s16, $0xb8;
	[tilespmem:$0x1B960] =	vst v63  }
0x4f: {  	_ =	swait.ge [sflag:s23], $0x1F40  }
0x50: {  	[sflag:s23] =	ssyncset.done $0x0  }
0x51: {  	s5 =	simm.s32 $0x5080;
	[sflag:s23] =	ssyncadd.s32 $0xFFFFE0C0  }
0x52: {  	[spmem:s2] =	stream.indirect.scatter.add.f32 [tilespmem:s19], [sflag:$0x6], $0x40, s5, s16, $0xb8;
	[tilespmem:$0x1B960] =	vst v63  }
0x53: {  	s21 =	simm.s32 $0x180  }
0x54: {  	[tilespmem:s26], [sflag:$0x4] =	stream.indirect.gather [hbm4b:s7+s16], $0x40, s21, s16, $0xb8;
	[tilespmem:$0x1B960] =	vst v63  }
0x55: {  	_ =	swait.ge [sflag:s28], $0x1F40  }
0x56: {  	[sflag:s28] =	ssyncset.done $0x0  }
0x57: {  	s5 =	simm.s32 $0x5100;
	[sflag:s28] =	ssyncadd.s32 $0xFFFFE0C0  }
0x58: {  	[spmem:s2] =	stream.indirect.scatter.add.f32 [tilespmem:s22], [sflag:$0x7], $0x40, s5, s16, $0xb8;
	[tilespmem:$0x1B960] =	vst v63  }
0x59: {  	_ =	swait.ge [sflag:s30], $0x1F40  }
0x5a: {  	[sflag:s30] =	ssyncset.done $0x0  }
0x5b: {  	s21 =	simm.s32 $0x200;
	[sflag:s30] =	ssyncadd.s32 $0xFFFFE0C0  }
0x5c: {  	[tilespmem:s17], [sflag:$0x1] =	stream.indirect.gather [hbm4b:s7+s16], $0x40, s21, s16, $0xb8;
	[tilespmem:$0x1B960] =	vst v63  }
0x5d: {  	_ =	swait.ge [sflag:s0], $0x1F40  }
0x5e: {  	[sflag:s0] =	ssyncset.done $0x0  }
0x5f: {  	s5 =	simm.s32 $0x5180;
	[sflag:s0] =	ssyncadd.s32 $0xFFFFE0C0  }
0x60: {  	[spmem:s2] =	stream.indirect.scatter.add.f32 [tilespmem:s26], [sflag:$0x8], $0x40, s5, s16, $0xb8;
	[tilespmem:$0x1B960] =	vst v63  }
0x61: {  	_ =	swait.ge [sflag:s18], $0x1F40  }
0x62: {  	[sflag:s18] =	ssyncset.done $0x0  }
0x63: {  	s31 =	simm.s32 $0x0;
	s21 =	simm.s32 $0x280;
	[sflag:s18] =	ssyncadd.s32 $0xFFFFE0C0  }
0x64: {  	[tilespmem:s19], [sflag:$0x2] =	stream.indirect.gather [hbm4b:s7+s16], $0x40, s21, s16, $0xb8;
	[tilespmem:$0x1B960] =	vst v63  }
.LBB2_2:
0x65: {  	_ =	swait.ge [sflag:s20], $0x1F40  }
0x66: {  	s1 =	sshra.s32 s31, $0x2;
	[sflag:s20] =	ssyncset.done $0x0  }
0x67: {  	s21 =	sadd.s32 $0x5200, s1;
	[sflag:s20] =	ssyncadd.s32 $0xFFFFE0C0  }
0x68: {  	[spmem:s2] =	stream.indirect.scatter.add.f32 [tilespmem:s17], [sflag:$0x5], $0x40, s21, s16, $0xb8;
	[tilespmem:$0x1B960] =	vst v63  }
0x69: {  	_ =	swait.ge [sflag:s24], $0x1F40  }
0x6a: {  	[sflag:s24] =	ssyncset.done $0x0  }
0x6b: {  	s5 =	sadd.s32 $0x300, s1;
	[sflag:s24] =	ssyncadd.s32 $0xFFFFE0C0  }
0x6c: {  	[tilespmem:s22], [sflag:$0x3] =	stream.indirect.gather [hbm4b:s7+s16], $0x40, s5, s16, $0xb8;
	[tilespmem:$0x1B960] =	vst v63  }
0x6d: {  	_ =	swait.ge [sflag:s23], $0x1F40  }
0x6e: {  	[sflag:s23] =	ssyncset.done $0x0  }
0x6f: {  	s5 =	sadd.s32 $0x5280, s1;
	[sflag:s23] =	ssyncadd.s32 $0xFFFFE0C0  }
0x70: {  	[spmem:s2] =	stream.indirect.scatter.add.f32 [tilespmem:s19], [sflag:$0x6], $0x40, s5, s16, $0xb8;
	[tilespmem:$0x1B960] =	vst v63  }
0x71: {  	_ =	swait.ge [sflag:s25], $0x1F40  }
0x72: {  	[sflag:s25] =	ssyncset.done $0x0  }
0x73: {  	p1 =	seq.s32 s31, $0x13000;
	s5 =	sadd.s32 $0x380, s1;
	[sflag:s25] =	ssyncadd.s32 $0xFFFFE0C0  }
0x74: {  	[tilespmem:s26], [sflag:$0x4] =	stream.indirect.gather [hbm4b:s7+s16], $0x40, s5, s16, $0xb8;
	[tilespmem:$0x1B960] =	vst v63  }
.Ltmp2:
0x75: {  	_ = 	snop;
	(pc) =	sbr.rel @p1 .LBB2_4-.Ltmp2, $4  }
0x76: {  	_ =	swait.ge [sflag:s28], $0x1F40  }
0x77: {  	[sflag:s28] =	ssyncset.done $0x0  }
0x78: {  	s21 =	sadd.s32 $0x5380, s1;
	s5 =	sadd.s32 $0x5300, s1;
	[sflag:s28] =	ssyncadd.s32 $0xFFFFE0C0  }
0x79: {  	[spmem:s2] =	stream.indirect.scatter.add.f32 [tilespmem:s22], [sflag:$0x7], $0x40, s5, s16, $0xb8;
	[tilespmem:$0x1B960] =	vst v63  }
0x7a: {  	_ =	swait.ge [sflag:s30], $0x1F40  }
0x7b: {  	[sflag:s30] =	ssyncset.done $0x0  }
0x7c: {  	s5 =	sadd.s32 $0x400, s1;
	[sflag:s30] =	ssyncadd.s32 $0xFFFFE0C0  }
0x7d: {  	[tilespmem:s17], [sflag:$0x1] =	stream.indirect.gather [hbm4b:s7+s16], $0x40, s5, s16, $0xb8;
	[tilespmem:$0x1B960] =	vst v63  }
0x7e: {  	_ =	swait.ge [sflag:s0], $0x1F40  }
0x7f: {  	[sflag:s0] =	ssyncset.done $0x0  }
0x80: {  	[sflag:s0] =	ssyncadd.s32 $0xFFFFE0C0  }
0x81: {  	[spmem:s2] =	stream.indirect.scatter.add.f32 [tilespmem:s26], [sflag:$0x8], $0x40, s21, s16, $0xb8;
	[tilespmem:$0x1B960] =	vst v63  }
.Ltmp3:
0x82: {  	_ = 	snop;
	(pc) =	sbr.rel .LBB2_2-.Ltmp3, $4  }
0x83: {  	_ =	swait.ge [sflag:s18], $0x1F40  }
0x84: {  	[sflag:s18] =	ssyncset.done $0x0  }
0x85: {  	s31 =	sadd.s32 $0x800, s31;
	s21 =	sadd.s32 $0x480, s1;
	[sflag:s18] =	ssyncadd.s32 $0xFFFFE0C0  }
0x86: {  	[tilespmem:s19], [sflag:$0x2] =	stream.indirect.gather [hbm4b:s7+s16], $0x40, s21, s16, $0xb8;
	[tilespmem:$0x1B960] =	vst v63  }
.LBB2_5:
0x87: {  	_ =	sfence.sel $0x180000  }
0x88: {  	[bflag:$0x0] =	sbarrier.arrive $0xFFFF  }
0x89: {  	_ =	strace $0x9000004A  }
0x8a: {  	s0 =	stileid.u32;
	[bflag:$0x2] =	sbarrier.arrive $0xFFFF  }
0x8b: {  	p0 =	sne.s32 s0, $0x0;
	s0 =	rddreg [dreg:$0x3]  }
0x8c: {  	s0 =	sadd.s32 @!p0 $0x100000, s0  }
0x8d: {  	[sflag:s0] =	ssyncadd.tile.s32 @!p0 $0x1;
	_ =	shalt  }
.Lfunc_end2:
_tile_overlayer_lowered:
.L_overlay_start_2:
0x8e: {  	(tag) =	ssettag $0x2  }
0x8f: {  	s0 =	rddreg [dreg:$0x0];
	s2 =	stileid.u32  }
0x90: {  	s1 =	rddreg [dreg:$0x1];
	p0 =	sne.s32 s2, $0x0  }
0x91: {  	s3 =	rddreg [dreg:$0x2];
	[bflag:$0x3] =	sbarrier.arrive $0xFFFF;
	s2 =	simm.s32 @!p0 $0x1C0A  }
0x92: {  	[timem:s3], [sflag:s2] =	dma.local @!p0 [hbm:s0], s1  }
0x93: {  	s0 =	simm.s32 @!p0 $0xA  }
0x94: {  	_ =	swait.ge @!p0 [sflag:s0], s1  }
0x95: {  	s1 =	ssub.s32 @!p0 $0x0, s1;
	[sflag:s0] =	ssyncset.done @!p0 $0x0  }
0x96: {  	[sflag:s0] =	ssyncadd.s32 @!p0 s1  }
0x97: {  	[bflag:$0x3] =	sbarrier.arrive $0xFFFF  }
0x98: {  	_ =	shalt  }

</sc_bundles>
